<compile_context>
chip_gen: v7x
topology: tpu7x:2x2x1
jax: 0.10.2.dev20260603
libtpu: 0.0.44.dev20260713+nightly
codegen_flags: <defaults>
</compile_context>

<pallas_src>
import functools

import jax
import jax.numpy as jnp
from jax import lax
from jax.experimental import pallas as pl

_NUM_CLASSES = 90
_MAX_DET_POINTS = 1000
_MAX_DETECTIONS = 100
_IOU_THR = 0.5
_IMAGE_SIZE = 512.0
_B, _N, _D = 8, 20000, 64
_NCHUNK = 4000
_CAND = 1024


def _scan_body(x_ref, wc_ref, rmax_ref):
    xm = x_ref[0]
    cls = jnp.dot(xm, wc_ref[...], preferred_element_type=jnp.float32)
    rmax_ref[0] = jnp.max(cls, axis=-1, keepdims=True)


def _scan_rowmax(x, W_cls):
    grid = (_B, _N // _NCHUNK)
    return pl.pallas_call(
        _scan_body,
        grid=grid,
        in_specs=[
            pl.BlockSpec((1, _NCHUNK, _D), lambda b, n: (b, n, 0)),
            pl.BlockSpec((_D, _NUM_CLASSES), lambda b, n: (0, 0)),
        ],
        out_specs=pl.BlockSpec((1, _NCHUNK, 1), lambda b, n: (b, n, 0)),
        out_shape=jax.ShapeDtypeStruct((_B, _N, 1), jnp.float32),
    )(x, W_cls)


def _sel_body(x_ref, wc_ref, wb_ref, cls_ref, box_ref):
    xm = x_ref[0]
    cls_ref[0] = jnp.dot(xm, wc_ref[...], preferred_element_type=jnp.float32)
    box_ref[0] = jnp.dot(xm, wb_ref[...], preferred_element_type=jnp.float32)


def _sel_heads(x_sel, W_cls, W_box):
    k = x_sel.shape[1]
    return pl.pallas_call(
        _sel_body,
        grid=(_B,),
        in_specs=[
            pl.BlockSpec((1, k, _D), lambda b: (b, 0, 0)),
            pl.BlockSpec((_D, _NUM_CLASSES), lambda b: (0, 0)),
            pl.BlockSpec((_D, 4), lambda b: (0, 0)),
        ],
        out_specs=[
            pl.BlockSpec((1, k, _NUM_CLASSES), lambda b: (b, 0, 0)),
            pl.BlockSpec((1, k, 4), lambda b: (b, 0, 0)),
        ],
        out_shape=[
            jax.ShapeDtypeStruct((_B, k, _NUM_CLASSES), jnp.float32),
            jax.ShapeDtypeStruct((_B, k, 4), jnp.float32),
        ],
    )(x_sel, W_cls, W_box)


def _nms_body(y1_ref, x1_ref, y2_ref, x2_ref, cl_ref, sc_ref,
              oy1_ref, ox1_ref, oy2_ref, ox2_ref, osc_ref, ocl_ref):
    Y1 = y1_ref[...]
    X1 = x1_ref[...]
    Y2 = y2_ref[...]
    X2 = x2_ref[...]
    CL = cl_ref[...]
    S = sc_ref[...]

    off = CL * (2.0 * _IMAGE_SIZE)
    SY1 = Y1 + off
    SX1 = X1 + off
    SY2 = Y2 + off
    SX2 = X2 + off
    AREA = (SY2 - SY1) * (SX2 - SX1)

    lane = lax.broadcasted_iota(jnp.int32, (_B, _CAND), 1)
    colw = lax.broadcasted_iota(jnp.int32, (_B, 128), 1)
    zcol = jnp.zeros((_B, 128), jnp.float32)

    def step(t, carry):
        live, a_y1, a_x1, a_y2, a_x2, a_sc, a_cl = carry
        m = jnp.max(live, axis=1, keepdims=True)
        alive = m >= 0.0
        j = jnp.min(jnp.where(live == m, lane, _CAND * 2), axis=1,
                    keepdims=True)
        sel = lane == j

        def ext(a):
            return jnp.sum(jnp.where(sel, a, 0.0), axis=1, keepdims=True)

        py1 = ext(Y1)
        px1 = ext(X1)
        py2 = ext(Y2)
        px2 = ext(X2)
        pcl = ext(CL)
        poff = pcl * (2.0 * _IMAGE_SIZE)
        psy1 = py1 + poff
        psx1 = px1 + poff
        psy2 = py2 + poff
        psx2 = px2 + poff
        ksc = jnp.maximum(m, 0.0)

        yy1 = jnp.maximum(psy1, SY1)
        xx1 = jnp.maximum(psx1, SX1)
        yy2 = jnp.minimum(psy2, SY2)
        xx2 = jnp.minimum(psx2, SX2)
        inter = jnp.maximum(yy2 - yy1, 0.0) * jnp.maximum(xx2 - xx1, 0.0)
        pa = (psy2 - psy1) * (psx2 - psx1)
        iou = inter / (pa + AREA - inter + 1e-8)
        sup = (iou >= _IOU_THR) | sel
        live = jnp.where(alive & sup, -1.0, live)

        colm = colw == t

        def put(acc, v):
            return jnp.where(colm, v, acc)

        return (live,
                put(a_y1, py1), put(a_x1, px1), put(a_y2, py2),
                put(a_x2, px2), put(a_sc, ksc), put(a_cl, pcl))

    init = (S, zcol, zcol, zcol, zcol, zcol, zcol)
    _, a_y1, a_x1, a_y2, a_x2, a_sc, a_cl = lax.fori_loop(
        0, _MAX_DETECTIONS, step, init)
    oy1_ref[...] = a_y1
    ox1_ref[...] = a_x1
    oy2_ref[...] = a_y2
    ox2_ref[...] = a_x2
    osc_ref[...] = a_sc
    ocl_ref[...] = a_cl


def _nms(y1, x1, y2, x2, cl, sc):
    outs = pl.pallas_call(
        _nms_body,
        out_shape=[jax.ShapeDtypeStruct((_B, 128), jnp.float32)] * 6,
    )(y1, x1, y2, x2, cl, sc)
    return outs


def _grouped_topk(v, k, g):
    b, n = v.shape
    vg = v.reshape(b, n // g, g)
    gmax = jnp.max(vg, axis=-1)
    _, gidx = lax.top_k(gmax, k)
    rows = jnp.take_along_axis(vg, gidx[..., None], axis=1)
    vals, q = lax.top_k(rows.reshape(b, k * g), k)
    orig = jnp.take_along_axis(gidx, q // g, axis=1) * g + (q % g)
    return vals, orig


def _decode(rel, anchors):
    ycenter_a = (anchors[..., 0] + anchors[..., 2]) / 2.0
    xcenter_a = (anchors[..., 1] + anchors[..., 3]) / 2.0
    ha = anchors[..., 2] - anchors[..., 0]
    wa = anchors[..., 3] - anchors[..., 1]
    ty, tx, th, tw = rel[..., 0], rel[..., 1], rel[..., 2], rel[..., 3]
    w = jnp.exp(jnp.clip(tw, -4.0, 4.0)) * wa
    h = jnp.exp(jnp.clip(th, -4.0, 4.0)) * ha
    ycenter = ty * ha + ycenter_a
    xcenter = tx * wa + xcenter_a
    return jnp.stack([ycenter - h / 2.0, xcenter - w / 2.0,
                      ycenter + h / 2.0, xcenter + w / 2.0], axis=-1)


@jax.jit
def kernel(x, image_ids, image_scales, W_cls, W_box, anchor_boxes):
    rowmax = _scan_rowmax(x, W_cls)
    _, amax_idx = _grouped_topk(rowmax[..., 0], _MAX_DET_POINTS, 8)
    x_sel = jnp.take_along_axis(x, amax_idx[..., None], axis=1)
    cls_sel, box_small = _sel_heads(x_sel, W_cls, W_box)
    cand = jnp.pad(cls_sel, ((0, 0), (0, 0), (0, 96 - _NUM_CLASSES)),
                   constant_values=-1e30)
    top_scores, tidx = _grouped_topk(
        cand.reshape(_B, _MAX_DET_POINTS * 96), _MAX_DET_POINTS, 8)
    anchor_idx = jnp.take_along_axis(amax_idx, tidx // 96, axis=1)
    classes = tidx % 96
    box_sel = jnp.take_along_axis(box_small, (tidx // 96)[..., None], axis=1)
    anc_sel = jnp.take(anchor_boxes, anchor_idx, axis=0)
    decoded = _decode(box_sel, anc_sel)
    scores = jax.nn.sigmoid(top_scores)

    pad = _CAND - _MAX_DET_POINTS
    planes = [jnp.pad(decoded[..., i], ((0, 0), (0, pad))) for i in range(4)]
    cl_f = jnp.pad(classes.astype(jnp.float32), ((0, 0), (0, pad)))
    sc_p = jnp.pad(scores, ((0, 0), (0, pad)), constant_values=-2.0)

    py1, px1, py2, px2, ksc, pcl = _nms(*planes, cl_f, sc_p)
    py1, px1, py2, px2, ksc, pcl = (a[:, :_MAX_DETECTIONS]
                                    for a in (py1, px1, py2, px2, ksc, pcl))

    cy1 = jnp.clip(py1, 0.0, _IMAGE_SIZE)
    cx1 = jnp.clip(px1, 0.0, _IMAGE_SIZE)
    cy2 = jnp.clip(py2, 0.0, _IMAGE_SIZE)
    cx2 = jnp.clip(px2, 0.0, _IMAGE_SIZE)
    scale = image_scales[:, None]
    xywh = jnp.stack([cx1, cy1, cx2 - cx1, cy2 - cy1], axis=-1) * scale[..., None]
    kcls = pcl + 1.0
    img_col = jnp.broadcast_to(
        image_ids.astype(jnp.float32)[:, None], (_B, _MAX_DETECTIONS))
    return jnp.concatenate([img_col[..., None], xywh, ksc[..., None],
                            kcls[..., None]], axis=-1)

# --- scband reference (transcript-rebuilt; emitter-appended) ---
"""Pipeline reference for scband-detection-wrapper-36172214567858 (READ-ONLY COPY).

The authoritative reference and input builder live on the scoring server;
editing this copy changes nothing except your own understanding.
"""

import jax, jax.numpy as jnp
import numpy as np

NUM_CLASSES = 90
MAX_DET_POINTS = 1000
MAX_DETECTIONS = 100
IOU_THR = 0.5
IMAGE_SIZE = 512.0
B, N, D = 8, 20000, 64


def setup_inputs(seed: int = 0):
    key = jax.random.key(seed)
    ks = jax.random.split(key, 8)
    x = jax.random.normal(ks[0], (B, N, D), dtype=jnp.float32)
    image_ids = jnp.arange(B, dtype=jnp.int32)
    image_scales = jax.random.uniform(ks[1], (B,), minval=0.5, maxval=2.0, dtype=jnp.float32)
    W_cls = jax.random.normal(ks[2], (D, NUM_CLASSES), dtype=jnp.float32) * 0.05
    W_box = jax.random.normal(ks[3], (D, 4), dtype=jnp.float32) * 0.05
    cy = jax.random.uniform(ks[4], (N,), minval=0.0, maxval=IMAGE_SIZE)
    cx = jax.random.uniform(ks[5], (N,), minval=0.0, maxval=IMAGE_SIZE)
    ah = jax.random.uniform(ks[6], (N,), minval=16.0, maxval=128.0)
    aw = jax.random.uniform(ks[7], (N,), minval=16.0, maxval=128.0)
    anchor_boxes = jnp.stack([cy - ah / 2.0, cx - aw / 2.0, cy + ah / 2.0, cx + aw / 2.0], axis=-1).astype(jnp.float32)
    return {"x": x, "image_ids": image_ids, "image_scales": image_scales, "W_cls": W_cls, "W_box": W_box, "anchor_boxes": anchor_boxes}


def decode_box_outputs(rel, anchors):
    ycenter_a = (anchors[..., 0] + anchors[..., 2]) / 2.0
    xcenter_a = (anchors[..., 1] + anchors[..., 3]) / 2.0
    ha = anchors[..., 2] - anchors[..., 0]
    wa = anchors[..., 3] - anchors[..., 1]
    ty, tx, th, tw = rel[..., 0], rel[..., 1], rel[..., 2], rel[..., 3]
    w = jnp.exp(jnp.clip(tw, -4.0, 4.0)) * wa
    h = jnp.exp(jnp.clip(th, -4.0, 4.0)) * ha
    ycenter = ty * ha + ycenter_a
    xcenter = tx * wa + xcenter_a
    return jnp.stack([ycenter - h / 2.0, xcenter - w / 2.0, ycenter + h / 2.0, xcenter + w / 2.0], axis=-1)


def iou_one_to_many(box, boxes):
    yy1 = jnp.maximum(box[0], boxes[:, 0])
    xx1 = jnp.maximum(box[1], boxes[:, 1])
    yy2 = jnp.minimum(box[2], boxes[:, 2])
    xx2 = jnp.minimum(box[3], boxes[:, 3])
    inter = jnp.clip(yy2 - yy1, 0.0) * jnp.clip(xx2 - xx1, 0.0)
    a = (box[2] - box[0]) * (box[3] - box[1])
    bs = (boxes[:, 2] - boxes[:, 0]) * (boxes[:, 3] - boxes[:, 1])
    return inter / (a + bs - inter + 1e-8)


def greedy_nms(boxes, scores):
    def step(live, _):
        j = jnp.argmax(live)
        sc = live[j]
        sup = iou_one_to_many(boxes[j], boxes) >= IOU_THR
        live = jnp.where(sup, -1.0, live)
        live = live.at[j].set(-1.0)
        return live, (sc, j)
    _, (ksc, kidx) = jax.lax.scan(step, scores, None, length=MAX_DETECTIONS)
    return jnp.maximum(ksc, 0.0), kidx


def reference(x, image_ids, image_scales, W_cls, W_box, anchor_boxes):
    # model heads: per-anchor class logits and box regressions
    cls_outs = jnp.einsum('bnd,dc->bnc', x, W_cls)
    box_outs = jnp.einsum('bnd,df->bnf', x, W_box)
    Bc, Nn, C = cls_outs.shape
    # post_process: global top-k over anchors x classes
    flat = cls_outs.reshape(Bc, Nn * C)
    top_scores, top_idx = jax.lax.top_k(flat, MAX_DET_POINTS)
    anchor_idx = top_idx // C
    classes = top_idx % C
    box_sel = jnp.take_along_axis(box_outs, anchor_idx[..., None], axis=1)
    anc_sel = jnp.take(anchor_boxes, anchor_idx, axis=0)
    decoded = decode_box_outputs(box_sel, anc_sel)
    scores = jax.nn.sigmoid(top_scores)

    # generate_detections per image: class-aware NMS via coordinate offset trick
    def per_image(boxes, sc, cls, scale, img_id):
        shifted = boxes + cls.astype(boxes.dtype)[:, None] * (2.0 * IMAGE_SIZE)
        ksc, kidx = greedy_nms(shifted, sc)
        kb = jnp.clip(jnp.take(boxes, kidx, axis=0), 0.0, IMAGE_SIZE)
        xywh = jnp.stack([kb[:, 1], kb[:, 0], kb[:, 3] - kb[:, 1], kb[:, 2] - kb[:, 0]], axis=-1) * scale
        kcls = jnp.take(cls, kidx).astype(boxes.dtype) + 1.0
        img_col = jnp.full((MAX_DETECTIONS, 1), 1.0, boxes.dtype) * img_id.astype(boxes.dtype)
        return jnp.concatenate([img_col, xywh, ksc[:, None], kcls[:, None]], axis=-1)

    return jax.vmap(per_image)(decoded, scores, classes, image_scales, image_ids)

if __name__ == "__main__":
    import jax
    _d = setup_inputs()
    print(jax.jit(kernel)(*tuple(_d.values())))

</pallas_src>

<mosaic_0001>
module attributes {stable_mosaic.version = 14 : i64} {
  func.func @_scan_body(%arg0: i32, %arg1: i32, %arg2: memref<1x4000x64xf32, #tpu.memory_space<vmem>>, %arg3: memref<64x90xf32, #tpu.memory_space<vmem>>, %arg4: memref<1x4000x1xf32, #tpu.memory_space<vmem>>) attributes {dimension_semantics = [#tpu.dimension_semantics<arbitrary>, #tpu.dimension_semantics<arbitrary>], iteration_bounds = array<i64: 8, 5>, scalar_prefetch = 0 : i64, scratch_operands = 0 : i64, tpu.core_type = #tpu.core_type<tc>, window_params = [{transform_indices = @transform_0, window_bounds = array<i64: 1, 4000, 64>}, {pipeline_mode = #tpu.pipeline_mode<synchronous>, transform_indices = @transform_1, window_bounds = array<i64: 64, 90>}, {transform_indices = @transform_2, window_bounds = array<i64: 1, 4000, 1>}]} {
    %get3A = arith.constant 0 : index
    %get3A_0 = arith.constant 0 : index
    %get3A_1 = arith.constant 0 : index
    %get3A_2 = vector.load %arg2[%get3A, %get3A_0, %get3A_1] : memref<1x4000x64xf32, #tpu.memory_space<vmem>>, vector<1x4000x64xf32>
    %get3A_3 = vector.shape_cast %get3A_2 : vector<1x4000x64xf32> to vector<4000x64xf32>
    %get3A_4 = arith.constant 0 : index
    %get3A_5 = arith.constant 0 : index
    %get3A_6 = vector.load %arg3[%get3A_4, %get3A_5] : memref<64x90xf32, #tpu.memory_space<vmem>>, vector<64x90xf32>
    %dot_general3A = arith.constant dense<0.000000e+00> : vector<4000x90xf32>
    %dot_general3A_7 = tpu.matmul %get3A_3, %get3A_6, %dot_general3A {dimension_numbers = #tpu.dot_dimension_numbers<[1], [0], [0], [1], [0, 0, 1, 1], [], []>, transpose_lhs_hint = false} : vector<4000x64xf32>, vector<64x90xf32>, vector<4000x90xf32> -> vector<4000x90xf32>
    %reduce_max3A = arith.constant dense<0xFF800000> : vector<4000xf32>
    %reduce_max3A_8 = vector.multi_reduction <maximumf>, %dot_general3A_7, %reduce_max3A [1] : vector<4000x90xf32> to vector<4000xf32>
    %broadcast_in_dim3A = vector.shape_cast %reduce_max3A_8 : vector<4000xf32> to vector<4000x1xf32>
    %swap3A = arith.constant 0 : index
    %swap3A_9 = arith.constant 0 : index
    %swap3A_10 = arith.constant 0 : index
    %swap3A_11 = vector.load %arg4[%swap3A, %swap3A_9, %swap3A_10] : memref<1x4000x1xf32, #tpu.memory_space<vmem>>, vector<1x4000x1xf32>
    %swap3A_12 = vector.shape_cast %swap3A_11 : vector<1x4000x1xf32> to vector<4000x1xf32>
    %swap3A_13 = vector.shape_cast %broadcast_in_dim3A : vector<4000x1xf32> to vector<1x4000x1xf32>
    tpu.vector_store %arg4[%swap3A, %swap3A_9, %swap3A_10], %swap3A_13 {strides = array<i32>} : memref<1x4000x1xf32, #tpu.memory_space<vmem>>, vector<1x4000x1xf32>,
    return
  }
  func.func @transform_0(%arg0: i32, %arg1: i32) -> (i32, i32, i32) {
    %c0_i32 = arith.constant 0 : i32
    %c0_i32_0 = arith.constant 0 : i32
    return %arg0, %arg1, %c0_i32 : i32, i32, i32
  }
  func.func @transform_1(%arg0: i32, %arg1: i32) -> (i32, i32) {
    %c0_i32 = arith.constant 0 : i32
    %c0_i32_0 = arith.constant 0 : i32
    %c0_i32_1 = arith.constant 0 : i32
    return %c0_i32, %c0_i32_0 : i32, i32
  }
  func.func @transform_2(%arg0: i32, %arg1: i32) -> (i32, i32, i32) {
    %c0_i32 = arith.constant 0 : i32
    %c0_i32_0 = arith.constant 0 : i32
    return %arg0, %arg1, %c0_i32 : i32, i32, i32
  }
}

module attributes {stable_mosaic.version = 14 : i64} {
  func.func @_sel_body(%arg0: i32, %arg1: memref<1x1000x64xf32, #tpu.memory_space<vmem>>, %arg2: memref<64x90xf32, #tpu.memory_space<vmem>>, %arg3: memref<64x4xf32, #tpu.memory_space<vmem>>, %arg4: memref<1x1000x90xf32, #tpu.memory_space<vmem>>, %arg5: memref<1x1000x4xf32, #tpu.memory_space<vmem>>) attributes {dimension_semantics = [#tpu.dimension_semantics<arbitrary>], iteration_bounds = array<i64: 8>, scalar_prefetch = 0 : i64, scratch_operands = 0 : i64, tpu.core_type = #tpu.core_type<tc>, window_params = [{transform_indices = @transform_0, window_bounds = array<i64: 1, 1000, 64>}, {pipeline_mode = #tpu.pipeline_mode<synchronous>, transform_indices = @transform_1, window_bounds = array<i64: 64, 90>}, {pipeline_mode = #tpu.pipeline_mode<synchronous>, transform_indices = @transform_2, window_bounds = array<i64: 64, 4>}, {transform_indices = @transform_3, window_bounds = array<i64: 1, 1000, 90>}, {transform_indices = @transform_4, window_bounds = array<i64: 1, 1000, 4>}]} {
    %get3A = arith.constant 0 : index
    %get3A_0 = arith.constant 0 : index
    %get3A_1 = arith.constant 0 : index
    %get3A_2 = vector.load %arg1[%get3A, %get3A_0, %get3A_1] : memref<1x1000x64xf32, #tpu.memory_space<vmem>>, vector<1x1000x64xf32>
    %get3A_3 = vector.shape_cast %get3A_2 : vector<1x1000x64xf32> to vector<1000x64xf32>
    %get3A_4 = arith.constant 0 : index
    %get3A_5 = arith.constant 0 : index
    %get3A_6 = vector.load %arg2[%get3A_4, %get3A_5] : memref<64x90xf32, #tpu.memory_space<vmem>>, vector<64x90xf32>
    %dot_general3A = arith.constant dense<0.000000e+00> : vector<1000x90xf32>
    %dot_general3A_7 = tpu.matmul %get3A_3, %get3A_6, %dot_general3A {dimension_numbers = #tpu.dot_dimension_numbers<[1], [0], [0], [1], [0, 0, 1, 1], [], []>, transpose_lhs_hint = false} : vector<1000x64xf32>, vector<64x90xf32>, vector<1000x90xf32> -> vector<1000x90xf32>
    %swap3A = arith.constant 0 : index
    %swap3A_8 = arith.constant 0 : index
    %swap3A_9 = arith.constant 0 : index
    %swap3A_10 = vector.load %arg4[%swap3A, %swap3A_8, %swap3A_9] : memref<1x1000x90xf32, #tpu.memory_space<vmem>>, vector<1x1000x90xf32>
    %swap3A_11 = vector.shape_cast %swap3A_10 : vector<1x1000x90xf32> to vector<1000x90xf32>
    %swap3A_12 = vector.shape_cast %dot_general3A_7 : vector<1000x90xf32> to vector<1x1000x90xf32>
    tpu.vector_store %arg4[%swap3A, %swap3A_8, %swap3A_9], %swap3A_12 {strides = array<i32>} : memref<1x1000x90xf32, #tpu.memory_space<vmem>>, vector<1x1000x90xf32>,
    %get3A_13 = arith.constant 0 : index
    %get3A_14 = arith.constant 0 : index
    %get3A_15 = vector.load %arg3[%get3A_13, %get3A_14] : memref<64x4xf32, #tpu.memory_space<vmem>>, vector<64x4xf32>
    %dot_general3A_16 = arith.constant dense<0.000000e+00> : vector<1000x4xf32>
    %dot_general3A_17 = tpu.matmul %get3A_3, %get3A_15, %dot_general3A_16 {dimension_numbers = #tpu.dot_dimension_numbers<[1], [0], [0], [1], [0, 0, 1, 1], [], []>, transpose_lhs_hint = false} : vector<1000x64xf32>, vector<64x4xf32>, vector<1000x4xf32> -> vector<1000x4xf32>
    %swap3A_18 = arith.constant 0 : index
    %swap3A_19 = arith.constant 0 : index
    %swap3A_20 = arith.constant 0 : index
    %swap3A_21 = vector.load %arg5[%swap3A_18, %swap3A_19, %swap3A_20] : memref<1x1000x4xf32, #tpu.memory_space<vmem>>, vector<1x1000x4xf32>
    %swap3A_22 = vector.shape_cast %swap3A_21 : vector<1x1000x4xf32> to vector<1000x4xf32>
    %swap3A_23 = vector.shape_cast %dot_general3A_17 : vector<1000x4xf32> to vector<1x1000x4xf32>
    tpu.vector_store %arg5[%swap3A_18, %swap3A_19, %swap3A_20], %swap3A_23 {strides = array<i32>} : memref<1x1000x4xf32, #tpu.memory_space<vmem>>, vector<1x1000x4xf32>,
    return
  }
  func.func @transform_0(%arg0: i32) -> (i32, i32, i32) {
    %c0_i32 = arith.constant 0 : i32
    %c0_i32_0 = arith.constant 0 : i32
    %c0_i32_1 = arith.constant 0 : i32
    return %arg0, %c0_i32, %c0_i32_0 : i32, i32, i32
  }
  func.func @transform_1(%arg0: i32) -> (i32, i32) {
    %c0_i32 = arith.constant 0 : i32
    %c0_i32_0 = arith.constant 0 : i32
    %c0_i32_1 = arith.constant 0 : i32
    return %c0_i32, %c0_i32_0 : i32, i32
  }
  func.func @transform_2(%arg0: i32) -> (i32, i32) {
    %c0_i32 = arith.constant 0 : i32
    %c0_i32_0 = arith.constant 0 : i32
    %c0_i32_1 = arith.constant 0 : i32
    return %c0_i32, %c0_i32_0 : i32, i32
  }
  func.func @transform_3(%arg0: i32) -> (i32, i32, i32) {
    %c0_i32 = arith.constant 0 : i32
    %c0_i32_0 = arith.constant 0 : i32
    %c0_i32_1 = arith.constant 0 : i32
    return %arg0, %c0_i32, %c0_i32_0 : i32, i32, i32
  }
  func.func @transform_4(%arg0: i32) -> (i32, i32, i32) {
    %c0_i32 = arith.constant 0 : i32
    %c0_i32_0 = arith.constant 0 : i32
    %c0_i32_1 = arith.constant 0 : i32
    return %arg0, %c0_i32, %c0_i32_0 : i32, i32, i32
  }
}

module attributes {stable_mosaic.version = 14 : i64} {
  func.func @_nms_body(%arg0: memref<8x1024xf32, #tpu.memory_space<vmem>>, %arg1: memref<8x1024xf32, #tpu.memory_space<vmem>>, %arg2: memref<8x1024xf32, #tpu.memory_space<vmem>>, %arg3: memref<8x1024xf32, #tpu.memory_space<vmem>>, %arg4: memref<8x1024xf32, #tpu.memory_space<vmem>>, %arg5: memref<8x1024xf32, #tpu.memory_space<vmem>>, %arg6: memref<8x128xf32, #tpu.memory_space<vmem>>, %arg7: memref<8x128xf32, #tpu.memory_space<vmem>>, %arg8: memref<8x128xf32, #tpu.memory_space<vmem>>, %arg9: memref<8x128xf32, #tpu.memory_space<vmem>>, %arg10: memref<8x128xf32, #tpu.memory_space<vmem>>, %arg11: memref<8x128xf32, #tpu.memory_space<vmem>>) attributes {dimension_semantics = [], scalar_prefetch = 0 : i64, scratch_operands = 0 : i64, tpu.core_type = #tpu.core_type<tc>} {
    %get3A = arith.constant 0 : index
    %get3A_0 = arith.constant 0 : index
    %get3A_1 = vector.load %arg0[%get3A, %get3A_0] : memref<8x1024xf32, #tpu.memory_space<vmem>>, vector<8x1024xf32>
    %get3A_2 = arith.constant 0 : index
    %get3A_3 = arith.constant 0 : index
    %get3A_4 = vector.load %arg1[%get3A_2, %get3A_3] : memref<8x1024xf32, #tpu.memory_space<vmem>>, vector<8x1024xf32>
    %get3A_5 = arith.constant 0 : index
    %get3A_6 = arith.constant 0 : index
    %get3A_7 = vector.load %arg2[%get3A_5, %get3A_6] : memref<8x1024xf32, #tpu.memory_space<vmem>>, vector<8x1024xf32>
    %get3A_8 = arith.constant 0 : index
    %get3A_9 = arith.constant 0 : index
    %get3A_10 = vector.load %arg3[%get3A_8, %get3A_9] : memref<8x1024xf32, #tpu.memory_space<vmem>>, vector<8x1024xf32>
    %get3A_11 = arith.constant 0 : index
    %get3A_12 = arith.constant 0 : index
    %get3A_13 = vector.load %arg4[%get3A_11, %get3A_12] : memref<8x1024xf32, #tpu.memory_space<vmem>>, vector<8x1024xf32>
    %get3A_14 = arith.constant 0 : index
    %get3A_15 = arith.constant 0 : index
    %get3A_16 = vector.load %arg5[%get3A_14, %get3A_15] : memref<8x1024xf32, #tpu.memory_space<vmem>>, vector<8x1024xf32>
    %mul3A = arith.constant 1.024000e+03 : f32
    %mul3A_17 = vector.broadcast %mul3A : f32 to vector<8x1024xf32>
    %mul3A_18 = arith.mulf %get3A_13, %mul3A_17 : vector<8x1024xf32>
    %add3A = arith.addf %get3A_1, %mul3A_18 : vector<8x1024xf32>
    %add3A_19 = arith.addf %get3A_4, %mul3A_18 : vector<8x1024xf32>
    %add3A_20 = arith.addf %get3A_7, %mul3A_18 : vector<8x1024xf32>
    %add3A_21 = arith.addf %get3A_10, %mul3A_18 : vector<8x1024xf32>
    %sub3A = arith.subf %add3A_20, %add3A : vector<8x1024xf32>
    %sub3A_22 = arith.subf %add3A_21, %add3A_19 : vector<8x1024xf32>
    %mul3A_23 = arith.mulf %sub3A, %sub3A_22 : vector<8x1024xf32>
    %iota3A = tpu.iota {dimensions = array<i32: 1>} : vector<8x1024xi32>
    %iota3A_24 = tpu.iota {dimensions = array<i32: 1>} : vector<8x128xi32>
    %broadcast_in_dim3A = arith.constant 0.000000e+00 : f32
    %broadcast_in_dim3A_25 = vector.broadcast %broadcast_in_dim3A : f32 to vector<8x128xf32>
    %scan3A = arith.constant 0 : i32
    %scan3A_26 = arith.constant 100 : i32
    %scan3A_27 = arith.addi %scan3A, %scan3A_26 : i32
    %scan3A_28 = arith.constant 1 : i32
    %scan3A_29:7 = scf.for %scan3A_48 = %scan3A to %scan3A_27 step %scan3A_28 iter_args(%scan3A_49 = %get3A_16, %scan3A_50 = %broadcast_in_dim3A_25, %scan3A_51 = %broadcast_in_dim3A_25, %scan3A_52 = %broadcast_in_dim3A_25, %scan3A_53 = %broadcast_in_dim3A_25, %scan3A_54 = %broadcast_in_dim3A_25, %scan3A_55 = %broadcast_in_dim3A_25) -> (vector<8x1024xf32>, vector<8x128xf32>, vector<8x128xf32>, vector<8x128xf32>, vector<8x128xf32>, vector<8x128xf32>, vector<8x128xf32>)  : i32 {
      %reduce_max3A = arith.constant dense<0xFF800000> : vector<8xf32>
      %reduce_max3A_56 = vector.multi_reduction <maximumf>, %scan3A_49, %reduce_max3A [1] : vector<8x1024xf32> to vector<8xf32>
      %broadcast_in_dim3A_57 = vector.shape_cast %reduce_max3A_56 : vector<8xf32> to vector<8x1xf32>
      %ge3A = arith.constant 0.000000e+00 : f32
      %ge3A_58 = vector.broadcast %ge3A : f32 to vector<8x1xf32>
      %ge3A_59 = arith.cmpf oge, %broadcast_in_dim3A_57, %ge3A_58 : vector<8x1xf32>
      %eq3A = vector.broadcast %broadcast_in_dim3A_57 : vector<8x1xf32> to vector<8x1024xf32>
      %eq3A_60 = arith.cmpf oeq, %scan3A_49, %eq3A : vector<8x1024xf32>
      %jit3A = arith.constant 2048 : i32
      %broadcast_in_dim3A_61 = vector.broadcast %jit3A : i32 to vector<8x1024xi32>
      %select_n3A = arith.select %eq3A_60, %iota3A, %broadcast_in_dim3A_61 : vector<8x1024xi1>, vector<8x1024xi32>
      %reduce_min3A = arith.constant dense<2147483647> : vector<8xi32>
      %reduce_min3A_62 = vector.multi_reduction <minsi>, %select_n3A, %reduce_min3A [1] : vector<8x1024xi32> to vector<8xi32>
      %broadcast_in_dim3A_63 = vector.shape_cast %reduce_min3A_62 : vector<8xi32> to vector<8x1xi32>
      %eq3A_64 = vector.broadcast %broadcast_in_dim3A_63 : vector<8x1xi32> to vector<8x1024xi32>
      %eq3A_65 = arith.cmpi eq, %iota3A, %eq3A_64 : vector<8x1024xi32>
      %jit3A_66 = arith.constant 0.000000e+00 : f32
      %broadcast_in_dim3A_67 = vector.broadcast %jit3A_66 : f32 to vector<8x1024xf32>
      %select_n3A_68 = arith.select %eq3A_65, %get3A_1, %broadcast_in_dim3A_67 : vector<8x1024xi1>, vector<8x1024xf32>
      %reduce_sum3A = arith.constant dense<0.000000e+00> : vector<8xf32>
      %reduce_sum3A_69 = vector.multi_reduction <add>, %select_n3A_68, %reduce_sum3A [1] : vector<8x1024xf32> to vector<8xf32>
      %broadcast_in_dim3A_70 = vector.shape_cast %reduce_sum3A_69 : vector<8xf32> to vector<8x1xf32>
      %jit3A_71 = arith.constant 0.000000e+00 : f32
      %broadcast_in_dim3A_72 = vector.broadcast %jit3A_71 : f32 to vector<8x1024xf32>
      %select_n3A_73 = arith.select %eq3A_65, %get3A_4, %broadcast_in_dim3A_72 : vector<8x1024xi1>, vector<8x1024xf32>
      %reduce_sum3A_74 = arith.constant dense<0.000000e+00> : vector<8xf32>
      %reduce_sum3A_75 = vector.multi_reduction <add>, %select_n3A_73, %reduce_sum3A_74 [1] : vector<8x1024xf32> to vector<8xf32>
      %broadcast_in_dim3A_76 = vector.shape_cast %reduce_sum3A_75 : vector<8xf32> to vector<8x1xf32>
      %jit3A_77 = arith.constant 0.000000e+00 : f32
      %broadcast_in_dim3A_78 = vector.broadcast %jit3A_77 : f32 to vector<8x1024xf32>
      %select_n3A_79 = arith.select %eq3A_65, %get3A_7, %broadcast_in_dim3A_78 : vector<8x1024xi1>, vector<8x1024xf32>
      %reduce_sum3A_80 = arith.constant dense<0.000000e+00> : vector<8xf32>
      %reduce_sum3A_81 = vector.multi_reduction <add>, %select_n3A_79, %reduce_sum3A_80 [1] : vector<8x1024xf32> to vector<8xf32>
      %broadcast_in_dim3A_82 = vector.shape_cast %reduce_sum3A_81 : vector<8xf32> to vector<8x1xf32>
      %jit3A_83 = arith.constant 0.000000e+00 : f32
      %broadcast_in_dim3A_84 = vector.broadcast %jit3A_83 : f32 to vector<8x1024xf32>
      %select_n3A_85 = arith.select %eq3A_65, %get3A_10, %broadcast_in_dim3A_84 : vector<8x1024xi1>, vector<8x1024xf32>
      %reduce_sum3A_86 = arith.constant dense<0.000000e+00> : vector<8xf32>
      %reduce_sum3A_87 = vector.multi_reduction <add>, %select_n3A_85, %reduce_sum3A_86 [1] : vector<8x1024xf32> to vector<8xf32>
      %broadcast_in_dim3A_88 = vector.shape_cast %reduce_sum3A_87 : vector<8xf32> to vector<8x1xf32>
      %jit3A_89 = arith.constant 0.000000e+00 : f32
      %broadcast_in_dim3A_90 = vector.broadcast %jit3A_89 : f32 to vector<8x1024xf32>
      %select_n3A_91 = arith.select %eq3A_65, %get3A_13, %broadcast_in_dim3A_90 : vector<8x1024xi1>, vector<8x1024xf32>
      %reduce_sum3A_92 = arith.constant dense<0.000000e+00> : vector<8xf32>
      %reduce_sum3A_93 = vector.multi_reduction <add>, %select_n3A_91, %reduce_sum3A_92 [1] : vector<8x1024xf32> to vector<8xf32>
      %broadcast_in_dim3A_94 = vector.shape_cast %reduce_sum3A_93 : vector<8xf32> to vector<8x1xf32>
      %mul3A_95 = arith.constant 1.024000e+03 : f32
      %mul3A_96 = vector.broadcast %mul3A_95 : f32 to vector<8x1xf32>
      %mul3A_97 = arith.mulf %broadcast_in_dim3A_94, %mul3A_96 : vector<8x1xf32>
      %add3A_98 = arith.addf %broadcast_in_dim3A_70, %mul3A_97 : vector<8x1xf32>
      %add3A_99 = arith.addf %broadcast_in_dim3A_76, %mul3A_97 : vector<8x1xf32>
      %add3A_100 = arith.addf %broadcast_in_dim3A_82, %mul3A_97 : vector<8x1xf32>
      %add3A_101 = arith.addf %broadcast_in_dim3A_88, %mul3A_97 : vector<8x1xf32>
      %max3A = arith.constant 0.000000e+00 : f32
      %max3A_102 = vector.broadcast %max3A : f32 to vector<8x1xf32>
      %max3A_103 = arith.maximumf %broadcast_in_dim3A_57, %max3A_102 : vector<8x1xf32>
      %max3A_104 = vector.broadcast %add3A_98 : vector<8x1xf32> to vector<8x1024xf32>
      %max3A_105 = arith.maximumf %max3A_104, %add3A : vector<8x1024xf32>
      %max3A_106 = vector.broadcast %add3A_99 : vector<8x1xf32> to vector<8x1024xf32>
      %max3A_107 = arith.maximumf %max3A_106, %add3A_19 : vector<8x1024xf32>
      %min3A = vector.broadcast %add3A_100 : vector<8x1xf32> to vector<8x1024xf32>
      %min3A_108 = arith.minimumf %min3A, %add3A_20 : vector<8x1024xf32>
      %min3A_109 = vector.broadcast %add3A_101 : vector<8x1xf32> to vector<8x1024xf32>
      %min3A_110 = arith.minimumf %min3A_109, %add3A_21 : vector<8x1024xf32>
      %sub3A_111 = arith.subf %min3A_108, %max3A_105 : vector<8x1024xf32>
      %max3A_112 = arith.constant 0.000000e+00 : f32
      %max3A_113 = vector.broadcast %max3A_112 : f32 to vector<8x1024xf32>
      %max3A_114 = arith.maximumf %sub3A_111, %max3A_113 : vector<8x1024xf32>
      %sub3A_115 = arith.subf %min3A_110, %max3A_107 : vector<8x1024xf32>
      %max3A_116 = arith.constant 0.000000e+00 : f32
      %max3A_117 = vector.broadcast %max3A_116 : f32 to vector<8x1024xf32>
      %max3A_118 = arith.maximumf %sub3A_115, %max3A_117 : vector<8x1024xf32>
      %mul3A_119 = arith.mulf %max3A_114, %max3A_118 : vector<8x1024xf32>
      %sub3A_120 = arith.subf %add3A_100, %add3A_98 : vector<8x1xf32>
      %sub3A_121 = arith.subf %add3A_101, %add3A_99 : vector<8x1xf32>
      %mul3A_122 = arith.mulf %sub3A_120, %sub3A_121 : vector<8x1xf32>
      %add3A_123 = vector.broadcast %mul3A_122 : vector<8x1xf32> to vector<8x1024xf32>
      %add3A_124 = arith.addf %add3A_123, %mul3A_23 : vector<8x1024xf32>
      %sub3A_125 = arith.subf %add3A_124, %mul3A_119 : vector<8x1024xf32>
      %add3A_126 = arith.constant 9.99999993E-9 : f32
      %add3A_127 = vector.broadcast %add3A_126 : f32 to vector<8x1024xf32>
      %add3A_128 = arith.addf %sub3A_125, %add3A_127 : vector<8x1024xf32>
      %div3A = arith.divf %mul3A_119, %add3A_128 : vector<8x1024xf32>
      %ge3A_129 = arith.constant 5.000000e-01 : f32
      %ge3A_130 = vector.broadcast %ge3A_129 : f32 to vector<8x1024xf32>
      %ge3A_131 = arith.cmpf oge, %div3A, %ge3A_130 : vector<8x1024xf32>
      %or3A = arith.ori %ge3A_131, %eq3A_65 : vector<8x1024xi1>
      %and3A = vector.broadcast %ge3A_59 : vector<8x1xi1> to vector<8x1024xi1>
      %and3A_132 = arith.andi %and3A, %or3A : vector<8x1024xi1>
      %jit3A_133 = arith.constant -1.000000e+00 : f32
      %broadcast_in_dim3A_134 = vector.broadcast %jit3A_133 : f32 to vector<8x1024xf32>
      %select_n3A_135 = arith.select %and3A_132, %broadcast_in_dim3A_134, %scan3A_49 : vector<8x1024xi1>, vector<8x1024xf32>
      %eq3A_136 = vector.broadcast %scan3A_48 : i32 to vector<8x128xi32>
      %eq3A_137 = arith.cmpi eq, %iota3A_24, %eq3A_136 : vector<8x128xi32>
      %broadcast_in_dim3A_138 = vector.shape_cast %broadcast_in_dim3A_70 : vector<8x1xf32> to vector<8x1xf32>
      %broadcast_in_dim3A_139 = vector.broadcast %broadcast_in_dim3A_138 : vector<8x1xf32> to vector<8x128xf32>
      %select_n3A_140 = arith.select %eq3A_137, %broadcast_in_dim3A_139, %scan3A_50 : vector<8x128xi1>, vector<8x128xf32>
      %broadcast_in_dim3A_141 = vector.shape_cast %broadcast_in_dim3A_76 : vector<8x1xf32> to vector<8x1xf32>
      %broadcast_in_dim3A_142 = vector.broadcast %broadcast_in_dim3A_141 : vector<8x1xf32> to vector<8x128xf32>
      %select_n3A_143 = arith.select %eq3A_137, %broadcast_in_dim3A_142, %scan3A_51 : vector<8x128xi1>, vector<8x128xf32>
      %broadcast_in_dim3A_144 = vector.shape_cast %broadcast_in_dim3A_82 : vector<8x1xf32> to vector<8x1xf32>
      %broadcast_in_dim3A_145 = vector.broadcast %broadcast_in_dim3A_144 : vector<8x1xf32> to vector<8x128xf32>
      %select_n3A_146 = arith.select %eq3A_137, %broadcast_in_dim3A_145, %scan3A_52 : vector<8x128xi1>, vector<8x128xf32>
      %broadcast_in_dim3A_147 = vector.shape_cast %broadcast_in_dim3A_88 : vector<8x1xf32> to vector<8x1xf32>
      %broadcast_in_dim3A_148 = vector.broadcast %broadcast_in_dim3A_147 : vector<8x1xf32> to vector<8x128xf32>
      %select_n3A_149 = arith.select %eq3A_137, %broadcast_in_dim3A_148, %scan3A_53 : vector<8x128xi1>, vector<8x128xf32>
      %broadcast_in_dim3A_150 = vector.shape_cast %max3A_103 : vector<8x1xf32> to vector<8x1xf32>
      %broadcast_in_dim3A_151 = vector.broadcast %broadcast_in_dim3A_150 : vector<8x1xf32> to vector<8x128xf32>
      %select_n3A_152 = arith.select %eq3A_137, %broadcast_in_dim3A_151, %scan3A_54 : vector<8x128xi1>, vector<8x128xf32>
      %broadcast_in_dim3A_153 = vector.shape_cast %broadcast_in_dim3A_94 : vector<8x1xf32> to vector<8x1xf32>
      %broadcast_in_dim3A_154 = vector.broadcast %broadcast_in_dim3A_153 : vector<8x1xf32> to vector<8x128xf32>
      %select_n3A_155 = arith.select %eq3A_137, %broadcast_in_dim3A_154, %scan3A_55 : vector<8x128xi1>, vector<8x128xf32>
      scf.yield %select_n3A_135, %select_n3A_140, %select_n3A_143, %select_n3A_146, %select_n3A_149, %select_n3A_152, %select_n3A_155 : vector<8x1024xf32>, vector<8x128xf32>, vector<8x128xf32>, vector<8x128xf32>, vector<8x128xf32>, vector<8x128xf32>, vector<8x128xf32>
    }
    %scan3A_30 = arith.constant 100 : i32
    %swap3A = arith.constant 0 : index
    %swap3A_31 = arith.constant 0 : index
    %swap3A_32 = vector.load %arg6[%swap3A, %swap3A_31] : memref<8x128xf32, #tpu.memory_space<vmem>>, vector<8x128xf32>
    tpu.vector_store %arg6[%swap3A, %swap3A_31], %scan3A_29#1 {strides = array<i32>} : memref<8x128xf32, #tpu.memory_space<vmem>>, vector<8x128xf32>,
    %swap3A_33 = arith.constant 0 : index
    %swap3A_34 = arith.constant 0 : index
    %swap3A_35 = vector.load %arg7[%swap3A_33, %swap3A_34] : memref<8x128xf32, #tpu.memory_space<vmem>>, vector<8x128xf32>
    tpu.vector_store %arg7[%swap3A_33, %swap3A_34], %scan3A_29#2 {strides = array<i32>} : memref<8x128xf32, #tpu.memory_space<vmem>>, vector<8x128xf32>,
    %swap3A_36 = arith.constant 0 : index
    %swap3A_37 = arith.constant 0 : index
    %swap3A_38 = vector.load %arg8[%swap3A_36, %swap3A_37] : memref<8x128xf32, #tpu.memory_space<vmem>>, vector<8x128xf32>
    tpu.vector_store %arg8[%swap3A_36, %swap3A_37], %scan3A_29#3 {strides = array<i32>} : memref<8x128xf32, #tpu.memory_space<vmem>>, vector<8x128xf32>,
    %swap3A_39 = arith.constant 0 : index
    %swap3A_40 = arith.constant 0 : index
    %swap3A_41 = vector.load %arg9[%swap3A_39, %swap3A_40] : memref<8x128xf32, #tpu.memory_space<vmem>>, vector<8x128xf32>
    tpu.vector_store %arg9[%swap3A_39, %swap3A_40], %scan3A_29#4 {strides = array<i32>} : memref<8x128xf32, #tpu.memory_space<vmem>>, vector<8x128xf32>,
    %swap3A_42 = arith.constant 0 : index
    %swap3A_43 = arith.constant 0 : index
    %swap3A_44 = vector.load %arg10[%swap3A_42, %swap3A_43] : memref<8x128xf32, #tpu.memory_space<vmem>>, vector<8x128xf32>
    tpu.vector_store %arg10[%swap3A_42, %swap3A_43], %scan3A_29#5 {strides = array<i32>} : memref<8x128xf32, #tpu.memory_space<vmem>>, vector<8x128xf32>,
    %swap3A_45 = arith.constant 0 : index
    %swap3A_46 = arith.constant 0 : index
    %swap3A_47 = vector.load %arg11[%swap3A_45, %swap3A_46] : memref<8x128xf32, #tpu.memory_space<vmem>>, vector<8x128xf32>
    tpu.vector_store %arg11[%swap3A_45, %swap3A_46], %scan3A_29#6 {strides = array<i32>} : memref<8x128xf32, #tpu.memory_space<vmem>>, vector<8x128xf32>,
    return
  }
}

</mosaic_0001>

<sc_bundles>
// kernel: gather_offload_async_start.1
scs
__scs_entry_jumppad:
0x0: {  	(pc) =	sbr.rel $0x88, $3  }
0x1: {  	(tag) =	ssettag $0x0;
	lr =	simm.s32 $0x1  }
0x2: {  	[smem:$0x3F9B] =	sst lr;
	_ =	strace $0xD0000000  }
0x3: {  	_ = 	snop  }
0x4: {  	_ = 	snop  }
0x5: {  	_ = 	snop  }
0x6: {  	_ = 	snop  }
0x7: {  	_ = 	snop  }
__scs_overlays_trampoline_lowered:
0x8: {  	[smem:$0x3FAA] =	sst s0  }
0x9: {  	[smem:$0x3FAB] =	sst s1  }
0xa: {  	[smem:$0x3FAC] =	sst s2  }
0xb: {  	[smem:$0x3FAD] =	sst s3  }
0xc: {  	[smem:$0x3FAE] =	sst s4  }
0xd: {  	[smem:$0x3FAF] =	sst s5  }
0xe: {  	[smem:$0x3FB0] =	sst s6  }
0xf: {  	[smem:$0x3FB1] =	sst s7  }
0x10: {  	[smem:$0x3FB2] =	sst s8  }
0x11: {  	[smem:$0x3FB3] =	sst s9;
	s0 =	simm.s32 @!p0 $0x0  }
0x12: {  	s1 =	sld [smem:$0x3F99];
	s0 =	simm.s32 @p0 $0x1  }
0x13: {  	[smem:$0x3FB4] =	sst s0;
	s0 =	simm.s32 @!p1 $0x0  }
0x14: {  	s2 =	sld [smem:$0x3F98];
	s0 =	simm.s32 @p1 $0x1  }
0x15: {  	[smem:$0x3FB5] =	sst s0;
	s0 =	simm.s32 @!p2 $0x0  }
0x16: {  	s3 =	sld [smem:$0x3FDB];
	s0 =	simm.s32 @p2 $0x1  }
0x17: {  	s4 =	simm.s32 $0x1BF5;
	[smem:$0x3FB7] =	sst s0  }
0x18: {  	s0 =	sld [smem:$0x3F9A];
	_ =	swait.ge [sflag:s4], $0x0  }
0x19: {  	s7 =	sld [smem:$0x3F9B]  }
0x1a: {  	s8 =	sadd.s32 $0xFFFFE003, lr  }
0x1b: {  	s9 =	sadd.s32 $0xFFFFFEF7, lr;
	s5 =	simm.s32 $0xFFFFFFFF;
	p2 =	slt.u32 s8, $0xFFFFF086  }
0x1c: {  	p1 =	slt.u32 s9, $0xF7A;
	s5 =	simm.s32 @!p2 $0x0  }
0x1d: {  	s5 =	simm.s32 @p1 $0x1;
	p0 =	seq.s32 s7, s2  }
0x1e: {  	s7 =	smul.u32 @!p0 $0xF7A, s2;
	p2 =	seq.s32 @!p0 s5, $0x0  }
0x1f: {  	s9 =	smul.u32 $0xF7A, s1;
	s8 =	simm.s32 @!p0 $0x1BF5;
	p2 =	por !p2, p0  }
0x20: {  	[sflag:s8] =	ssyncset.s32 @!p0 $0xFFFFF086;
	s6 =	sadd.s32 @!p0 s3, s7;
	s7 =	simm.s32 @!p0 $0x108  }
0x21: {  	s3 =	sadd.s32 s3, s9;
	s6 =	sadd.s32 @!p0 $0x88, s6;
	s7 =	simm.s32 @p2 $0x1082  }
0x22: {  	[simem:s7], [sflag:s8] =	dma.local @!p0 [hbm:s6], $0xF7A  }
0x23: {  	s9 =	sor.u32 $0xD0000000, s2;
	s6 =	simm.s32 $0x108;
	_ =	swait.ge @!p0 [sflag:s8], $0x0  }
0x24: {  	s3 =	sadd.s32 $0x88, s3;
	s6 =	simm.s32 @!p1 $0x1082;
	[sflag:s4] =	ssyncset.s32 $0xFFFFF086  }
0x25: {  	[simem:s6], [sflag:s4] =	dma.local [hbm:s3], $0xF7A  }
0x26: {  	[smem:$0x3F9B] =	sst s1;
	(tag) =	ssettag s2;
	_ =	strace s9  }
0x27: {  	s1 =	sld [smem:$0x3FAB]  }
0x28: {  	s2 =	sld [smem:$0x3FAC]  }
0x29: {  	s4 =	sld [smem:$0x3FAE]  }
0x2a: {  	p0 =	seq.s32 s5, $0x0;
	s5 =	sld [smem:$0x3FAF]  }
0x2b: {  	s6 =	sld [smem:$0x3FB0]  }
0x2c: {  	s7 =	sld [smem:$0x3FB1]  }
0x2d: {  	s3 =	simm.s32 $0x108;
	s8 =	sld [smem:$0x3FB2]  }
0x2e: {  	s3 =	simm.s32 @!p0 $0x1082;
	s9 =	sld [smem:$0x3FB3]  }
0x2f: {  	lr =	sadd.s32 s0, s3;
	s0 =	sld [smem:$0x3FAA]  }
0x30: {  	s3 =	sld [smem:$0x3FAD]  }
0x31: {  	[smem:$0x3FB6] =	sst s10  }
0x32: {  	s10 =	sld [smem:$0x3FB4];
	_ =	sdelay $0x3  }
0x33: {  	p0 =	seq.s32 s10, $0x1;
	s10 =	sld [smem:$0x3FB6];
	_ =	sdelay $0x3  }
0x34: {  	[smem:$0x3FB6] =	sst s10  }
0x35: {  	s10 =	sld [smem:$0x3FB5];
	_ =	sdelay $0x3  }
0x36: {  	p1 =	seq.s32 s10, $0x1;
	s10 =	sld [smem:$0x3FB6];
	_ =	sdelay $0x3  }
0x37: {  	[smem:$0x3FB6] =	sst s10  }
0x38: {  	s10 =	sld [smem:$0x3FB7]  }
0x39: {  	_ = 	snop;
	(pc) =	sbr.ind lr, $3  }
0x3a: {  	_ = 	snop  }
0x3b: {  	_ = 	snop  }
0x3c: {  	p2 =	seq.s32 s10, $0x1;
	s10 =	sld [smem:$0x3FB6]  }
0x3d: {  	_ =	shalt  }
0x3e: {  	_ =	shalt  }
0x3f: {  	_ =	shalt  }
0x40: {  	_ =	shalt  }
0x41: {  	_ =	shalt  }
0x42: {  	_ =	shalt  }
0x43: {  	_ =	shalt  }
0x44: {  	_ =	shalt  }
0x45: {  	_ =	shalt  }
0x46: {  	_ =	shalt  }
0x47: {  	_ =	shalt  }
0x48: {  	_ =	shalt  }
0x49: {  	_ =	shalt  }
0x4a: {  	_ =	shalt  }
0x4b: {  	_ =	shalt  }
0x4c: {  	_ =	shalt  }
0x4d: {  	_ =	shalt  }
0x4e: {  	_ =	shalt  }
0x4f: {  	_ =	shalt  }
0x50: {  	_ =	shalt  }
0x51: {  	_ =	shalt  }
0x52: {  	_ =	shalt  }
0x53: {  	_ =	shalt  }
0x54: {  	_ =	shalt  }
0x55: {  	_ =	shalt  }
0x56: {  	_ =	shalt  }
0x57: {  	_ =	shalt  }
0x58: {  	_ =	shalt  }
0x59: {  	_ =	shalt  }
0x5a: {  	_ =	shalt  }
0x5b: {  	_ =	shalt  }
0x5c: {  	_ =	shalt  }
0x5d: {  	_ =	shalt  }
0x5e: {  	_ =	shalt  }
0x5f: {  	_ =	shalt  }
0x60: {  	_ =	shalt  }
0x61: {  	_ =	shalt  }
0x62: {  	_ =	shalt  }
0x63: {  	_ =	shalt  }
0x64: {  	_ =	shalt  }
0x65: {  	_ =	shalt  }
0x66: {  	_ =	shalt  }
0x67: {  	_ =	shalt  }
0x68: {  	_ =	shalt  }
0x69: {  	_ =	shalt  }
0x6a: {  	_ =	shalt  }
0x6b: {  	_ =	shalt  }
0x6c: {  	_ =	shalt  }
0x6d: {  	_ =	shalt  }
0x6e: {  	_ =	shalt  }
0x6f: {  	_ =	shalt  }
0x70: {  	_ =	shalt  }
0x71: {  	_ =	shalt  }
0x72: {  	_ =	shalt  }
0x73: {  	_ =	shalt  }
0x74: {  	_ =	shalt  }
0x75: {  	_ =	shalt  }
0x76: {  	_ =	shalt  }
0x77: {  	_ =	shalt  }
0x78: {  	_ =	shalt  }
0x79: {  	_ =	shalt  }
0x7a: {  	_ =	shalt  }
0x7b: {  	_ =	shalt  }
0x7c: {  	_ =	shalt  }
0x7d: {  	_ =	shalt  }
0x7e: {  	_ =	shalt  }
0x7f: {  	_ =	shalt  }
0x80: {  	_ =	shalt  }
0x81: {  	_ =	shalt  }
0x82: {  	_ =	shalt  }
0x83: {  	_ =	shalt  }
0x84: {  	_ =	shalt  }
0x85: {  	_ =	shalt  }
0x86: {  	_ =	shalt  }
0x87: {  	_ =	shalt  }
.Lfunc_end0:
.L_simem_size_0:
called_computation.1_lowered:
.L_overlay_start_0:
0x88: {  	s2 =	sld [smem:$0x3FD9]  }
0x89: {  	s3 =	sld [smem:$0x3FFE];
	_ =	sdelay $0x1  }
0x8a: {  	s1 =	srdreg.scid  }
0x8b: {  	s0 =	sand.u32 $0x1, s1  }
0x8c: {  	s16 =	sshll.u32 s0, $0xA;
	s2 =	sadd.s32 s3, s2  }
0x8d: {  	s2 =	sadd.s32 s2, s16  }
0x8e: {  	[smem:$0x3FC2] =	sst s2  }
0x8f: {  	_ = 	snop  }
0x90: {  	(tm) =	ssettm $0x1  }
0x91: {  	s17 =	sld [smem:$0x3FFB];
	_ =	sdelay $0x3  }
0x92: {  	_ =	strace s17  }
0x93: {  	s2 =	sld [smem:$0x3FFC];
	_ =	sdelay $0x3  }
0x94: {  	_ =	strace s2  }
0x95: {  	s2 =	sld [smem:$0x3FFD];
	_ =	sdelay $0x3  }
0x96: {  	_ =	strace s2  }
0x97: {  	_ =	strace $0x8FFFFFFF  }
0x98: {  	s18 =	sld [smem:$0x3FDB];
	_ =	sdelay $0x1  }
0x99: {  	s19 =	simm.s32 $_scs_section_size  }
0x9a: {  	s4 =	simm.s32 $_size__tile_overlayer_lowered;
	s5 =	simm.s32 $_tile_overlayer_lowered  }
0x9b: {  	s22 =	simm.s32 $0x1BFF;
	s21 =	sshll.u32 s5, $0x1;
	s2 =	sadd.s32 s19, s18  }
0x9c: {  	s6 =	simm.s32 $0x0;
	s20 =	sshll.u32 s4, $0x1;
	s4 =	sadd.s32 s21, s2  }
0x9d: {  	[timem:s6], [sflag:s22] =	dma.local [hbm:s4], s20  }
0x9e: {  	_ =	swait.ge [sflag:s22], s20  }
0x9f: {  	s3 =	ssub.s32 $0x0, s20;
	[sflag:s22] =	ssyncset.done $0x0  }
0xa0: {  	[sflag:s22] =	ssyncadd.s32 s3;
	_ =	sdelay $0x1  }
0xa1: {  	s23 =	simm.s32 $0x1B8B  }
0xa2: {  	_ =	swait.ge [sflag:s23], $0x1  }
0xa3: {  	[sflag:s23] =	ssyncset.done $0x0  }
0xa4: {  	s25 =	simm.s32 $0x1B8E;
	s24 =	sld [smem:$0x3FFE];
	[sflag:s23] =	ssyncadd.s32 $0xFFFFFFFF  }
0xa5: {  	s26 =	simm.s32 $execute0_lowered;
	[smem:$0x3FD2] =	sst s25  }
0xa6: {  	s4 =	sshll.u32 s26, $0x1;
	_ =	strace $0x80000046;
	[dreg:$0x1] =	wrdreg $0xFFFFFFFF  }
0xa7: {  	s28 =	simm.s32 $_size_execute0_lowered;
	s2 =	sadd.s32 s2, s4;
	[dreg:$0x0] =	wrdreg $0x0  }
0xa8: {  	s4 =	sshll.u32 s28, $0x1;
	[dreg:$0x2] =	wrdreg s2  }
0xa9: {  	[dreg:$0x3] =	wrdreg s4  }
0xaa: {  	[dreg:$0x4] =	wrdreg $0xC0  }
0xab: {  	_ =	task [dreg:s6], $0x5FFFF  }
0xac: {  	[dreg:$0x1] =	wrdreg $0xFFFFFFFF  }
0xad: {  	[dreg:$0x0] =	wrdreg $0x60  }
0xae: {  	[dreg:$0x2] =	wrdreg s24  }
0xaf: {  	[dreg:$0x3] =	wrdreg $0x9  }
0xb0: {  	_ =	task.clear_ibuf [dreg:s6], $0x4FFFF;
	_ =	strace $0x90000046  }
0xb1: {  	s29 =	simm.s32 $0x9;
	_ =	strace $0x80000048  }
0xb2: {  	_ =	swait.ge [sflag:s29], $0x1  }
0xb3: {  	[sflag:s29] =	ssyncadd.s32 $0xFFFFFFFF  }
0xb4: {  	_ =	strace $0x90000048  }
0xb5: {  	_ =	sfence  }
0xb6: {  	s30 =	sld [smem:$0x0];
	_ =	sdelay $0x2  }
0xb7: {  	s31 =	sshll.u32 s1, $0xD;
	s1 =	sshrl.u32 s1, $0x2  }
0xb8: {  	s3 =	sand.u32 $0x4000, s31;
	s1 =	sadd.s32 s1, s30  }
0xb9: {  	s0 =	sor.u32 s3, s0;
	s1 =	sshll.u32 s1, $0x11  }
0xba: {  	s0 =	sor.u32 s1, s0  }
0xbb: {  	s0 =	sadd.s32 $0x8F2B, s0  }
0xbc: {  	[sflag:s0] =	ssyncadd.remote.s32 $0x1  }
0xbd: {  	_ =	sfence.sel $0xFFFF  }
0xbe: {  	[dreg:$0x0] =	wrdreg $0xFFFFFFFF;
	(pc) =	sbr.abs _section_cstart, $3  }
0xbf: {  	[dreg:$0x1] =	wrdreg $0xFFFFFFFF  }
0xc0: {  	_ =	task.clear_ibuf [dreg:s6], $0x2FFFF;
	_ =	strace $0x9FFFFFFF  }
0xc1: {  	(tm) =	ssettm $0x7FFFFFFF  }
tec
execute0_lowered:
.L_overlay_start_1:
0x0: {  	(tag) =	ssettag $0x1  }
0x1: {  	s0 =	srdreg.scid  }
0x2: {  	s1 =	sshll.u32 s0, $0x4  }
0x3: {  	s0 =	stileid.u32;
	s1 =	sand.u32 $0x10, s1  }
0x4: {  	s1 =	sor.u32 s0, s1  }
0x5: {  	s2 =	smin.u32 s1, $0x12  }
0x6: {  	s2 =	sadd.s32 s1, s2  }
0x7: {  	p0 =	slt.u32 s1, $0x12;
	s1 =	simm.s32 $0x140;
	s2 =	smul.u32 $0xA0, s2  }
0x8: {  	s1 =	simm.s32 @!p0 $0xA0  }
0x9: {  	s1 =	sadd.s32 s1, s2  }
0xa: {  	s3 =	smin.u32 s1, $0x1F40  }
0xb: {  	s7 =	ssub.s32 s3, s2  }
0xc: {  	p0 =	sgt.s32 s7, $0x0  }
0xd: {  	s7 =	simm.s32 @!p0 $0x0  }
0xe: {  	s4 =	smul.u32 $0xCCCD, s7  }
0xf: {  	s9 =	rddreg [dreg:$0x0];
	s6 =	simm.s32 $0x1;
	s11 =	simm.s32 $0x3  }
0x10: {  	s13 =	simm.s32 $0x0;
	s12 =	simm.s32 $0x0;
	s8 =	sshrl.u32 s4, $0x17  }
0x11: {  	s1 =	rddreg [dreg:$0x1];
	_ =	strace $0x80000047;
	s10 =	smul.u32 $0xA0, s8  }
.Ltmp0:
0x12: {  	s5 =	sadd.s32 $0x2BF200, s9;
	[sflag:s6] =	ssyncpa.u1 $0x0;
	(pc) =	sbr.rel .LBB2_1-.Ltmp0, $4  }
0x13: {  	s4 =	sadd.s32 $0x271000, s9;
	p0 =	sne.s32 s7, s10;
	s10 =	simm.s32 $0x1  }
0x14: {  	s9 =	sadd.s32 $0x2BF600, s9;
	s7 =	simm.s32 $0x2;
	s10 =	simm.s32 @!p0 $0x0  }
0x15: {  	[sflag:s7] =	ssyncpa.u1 $0x0;
	p0 =	por $0x0, $0x0;
	s8 =	sadd.s32 s8, s10  }
0x16: {  	vm0 =	vmmov $0xff;
	vm1 =	vcmask $0x3F20;
	[sflag:s11] =	ssyncpa.u1 $0x0;
	s11 =	smov.u32 s2;
	s10 =	sadd.s32 $0x1, s8  }
.LBB2_6:
0x17: {  	[hbm:s17] =	stream.linear.scatter [tilespmem:s14], [sflag:$0x3], $0x400, $0x38;
	[tilespmem:$0xA140] =	vst v63  }
.LBB2_7:
0x18: {  	s13 =	sadd.s32 $0xA0, s11  }
0x19: {  	s15 =	smov.u32 s2;
	p2 =	slt.s32 s13, s3  }
0x1a: {  	s15 =	smov.u32 @p2 s13;
	p2 =	sne.s32 s12, s10  }
.Ltmp1:
0x1b: {  	p1 =	slt.u32 s12, $0x2;
	(pc) =	sbr.rel @!p2 .LBB2_8-.Ltmp1, $4  }
0x1c: {  	s14 =	simm.s32 @!p1 $0x3  }
0x1d: {  	s16 =	sadd.s32 $0x1, s12;
	_ =	swait.ge @!p1 [sflag:s14], $0x5000  }
0x1e: {  	p0 =	por !p0, !p0;
	s13 =	smov.u32 s11;
	[sflag:s14] =	ssyncset.done @!p1 $0x0  }
0x1f: {  	s12 =	smov.u32 s16;
	s11 =	smov.u32 s15;
	[sflag:s14] =	ssyncadd.s32 @!p1 $0xFFFFB000  }
.LBB2_1:
0x20: {  	p1 =	sge.u32 s12, s8  }
0x21: {  	s14 =	sxor.u32 @!p1 $0xFFFFFFFF, s12  }
0x22: {  	s14 =	sand.u32 @!p1 $0x1, s14  }
0x23: {  	s14 =	smul.u32 @!p1 $0x280, s14  }
0x24: {  	s31 =	sadd.s32 $0xFFFFFFFF, s12;
	s15 =	sshrl.u32 @!p1 s11, $0x3  }
0x25: {  	s16 =	sand.u32 @!p1 $0x7, s11;
	s15 =	sadd.s32 @!p1 s5, s15;
	s14 =	sshrl.u32 @!p1 s14, $0x2  }
0x26: {  	[tilespmem:s14], [sflag:$0x2] =	stream.linear.gather @!p1 [hbm4b:s15+s16], $0xA0, $0x38;
	[tilespmem:$0xA140] =	vst v63  }
0x27: {  	p1 =	sge.u32 s31, s8  }
.Ltmp2:
0x28: {  	_ = 	snop;
	(pc) =	sbr.rel @p1 .LBB2_7-.Ltmp2, $1  }
0x29: {  	_ =	sdelay $0x3  }
0x2a: {  	s14 =	simm.s32 $0x1  }
0x2b: {  	s14 =	simm.s32 @!p0 $0x0  }
0x2c: {  	s15 =	smul.u32 $0x280, s14  }
0x2d: {  	_ =	swait.ge [sflag:s7], $0xA0  }
0x2e: {  	[sflag:s7] =	ssyncset.done $0x0;
	s16 =	sshrl.u32 s15, $0x2  }
0x2f: {  	[sflag:s7] =	ssyncadd.s32 $0xFFFFFF60;
	s15 =	sadd.s32 $0x0, s16  }
0x30: {  	v0 =	vld.msk [tilespmem:s15+$0x0 ss:$0x1], $0xffff;
	_ =	sdelay $0x4  }
0x31: {  	vm2 =	veq.s32 v0, $0x80000000;
	v1 =	vand.u32 $0x7, v0;
	v0 =	vshll.u32 v0, $0x7  }
0x32: {  	v1 =	vsel vm2, $0xFFFFFFFF, v1;
	v0 =	vand.u32 $0x3FFC00, v0  }
0x33: {  	v0 =	vsel vm2, $0xFFFFFC00, v0;
	v2 =	vand.u32 $0xFFFFFC00, v1;
	v1 =	vshll.u32 v1, $0x7  }
0x34: {  	v0 =	vadd.s32 v2, v0;
	v1 =	vand.u32 $0x380, v1  }
0x35: {  	v0 =	vor.u32 v1, v0  }
0x36: {  	v0 =	vshrl.u32 v0, $0x3  }
0x37: {  	s14 =	smul.u32 $0x14000, s14;
	_ =	sdelay $0x1  }
0x38: {  	s14 =	sshrl.u32 s14, $0x2  }
0x39: {  	s14 =	sor.u32 $0x140, s14  }
0x3a: {  	[tilespmem:s14], [sflag:$0x1] =	stream.indirect_vreg.gather [hbm:s4], $0x80, v0, vm0, $0x38;
	[tilespmem:$0xA140] =	vst v63  }
0x3b: {  	s17 =	sadd.s32 $0x10, s16;
	s15 =	sadd.s32 $0x400, s14  }
0x3c: {  	[tilespmem:s15], [sflag:$0x1] =	stream.indirect_vreg.gather [hbm:s4], $0x80, v0, vm1, $0x38;
	[tilespmem:$0xA140] =	vst v63  }
0x3d: {  	s18 =	simm.s32 $0x80;
	v0 =	vld.msk [tilespmem:s17+$0x0 ss:$0x1], $0xffff;
	s17 =	smov.u32 s14  }
.LBB2_3:
0x3e: {  	p1 =	sne.s32 s18, $0x240;
	_ =	sdelay $0x4  }
0x3f: {  	vm2 =	veq.s32 v0, $0x80000000;
	v1 =	vand.u32 $0x7, v0;
	v0 =	vshll.u32 v0, $0x7  }
0x40: {  	v1 =	vsel vm2, $0xFFFFFFFF, v1;
	v0 =	vand.u32 $0x3FFC00, v0  }
0x41: {  	v0 =	vsel vm2, $0xFFFFFC00, v0;
	v2 =	vand.u32 $0xFFFFFC00, v1;
	v1 =	vshll.u32 v1, $0x7  }
0x42: {  	v0 =	vadd.s32 v2, v0;
	v1 =	vand.u32 $0x380, v1  }
0x43: {  	v0 =	vor.u32 v1, v0  }
0x44: {  	v0 =	vshrl.u32 v0, $0x3;
	_ =	sdelay $0x3  }
.Ltmp3:
0x45: {  	s19 =	sshra.s32 s18, $0x2;
	s17 =	sadd.s32 $0x800, s17;
	(pc) =	sbr.rel @p1 .LBB2_3-.Ltmp3, $4  }
0x46: {  	[tilespmem:s17], [sflag:$0x1] =	stream.indirect_vreg.gather [hbm:s4], $0x80, v0, vm0, $0x38;
	[tilespmem:$0xA140] =	vst v63  }
0x47: {  	s19 =	sadd.s32 s19, s16;
	s20 =	sadd.s32 $0x400, s17  }
0x48: {  	[tilespmem:s20], [sflag:$0x1] =	stream.indirect_vreg.gather [hbm:s4], $0x80, v0, vm1, $0x38;
	[tilespmem:$0xA140] =	vst v63  }
0x49: {  	s18 =	sadd.s32 $0x40, s18;
	v0 =	vld.msk [tilespmem:s19+$0x0 ss:$0x1], $0xffff  }
0x4a: {  	_ =	sdelay $0x3  }
0x4b: {  	vm2 =	veq.s32 v0, $0x80000000;
	v1 =	vand.u32 $0x7, v0;
	v63 =	vshll.u32 v0, $0x7  }
0x4c: {  	v1 =	vsel vm2, $0xFFFFFFFF, v1;
	v0 =	vand.u32 $0x3FFC00, v63  }
0x4d: {  	v0 =	vsel vm2, $0xFFFFFC00, v0;
	v2 =	vand.u32 $0xFFFFFC00, v1;
	v1 =	vshll.u32 v1, $0x7  }
0x4e: {  	v0 =	vadd.s32 v2, v0;
	v1 =	vand.u32 $0x380, v1  }
0x4f: {  	v0 =	vor.u32 v1, v0  }
0x50: {  	v0 =	vshrl.u32 v0, $0x3;
	_ =	sdelay $0x3  }
0x51: {  	s16 =	sadd.s32 $0x800, s17  }
0x52: {  	[tilespmem:s16], [sflag:$0x1] =	stream.indirect_vreg.gather [hbm:s4], $0x80, v0, vm0, $0x38;
	[tilespmem:$0xA140] =	vst v63  }
0x53: {  	s16 =	sadd.s32 $0x400, s16  }
0x54: {  	[tilespmem:s16], [sflag:$0x1] =	stream.indirect_vreg.gather [hbm:s4], $0x80, v0, vm1, $0x38;
	[tilespmem:$0xA140] =	vst v63  }
0x55: {  	s13 =	sshll.u32 s13, $0x4;
	_ =	swait.ge [sflag:s6], $0x5000  }
0x56: {  	s13 =	sadd.s32 s13, s9;
	[sflag:s6] =	ssyncset.done $0x0  }
0x57: {  	s17 =	sadd.s32 $0x0, s13;
	s16 =	simm.s32 $0x80;
	[sflag:s6] =	ssyncadd.s32 $0xFFFFB000  }
.LBB2_5:
0x58: {  	[hbm:s17] =	stream.linear.scatter [tilespmem:s14], [sflag:$0x3], $0x400, $0x38;
	[tilespmem:$0xA140] =	vst v63  }
0x59: {  	s17 =	smov.u32 s16;
	s14 =	smov.u32 s15;
	p1 =	sne.s32 s16, $0x980  }
.Ltmp4:
0x5a: {  	s16 =	sadd.s32 $0x80, s16;
	(pc) =	sbr.rel @p1 .LBB2_5-.Ltmp4, $2  }
0x5b: {  	_ =	sdelay $0x2  }
0x5c: {  	s15 =	sadd.s32 $0x400, s15;
	s17 =	sadd.s32 s17, s13  }
.Ltmp5:
0x5d: {  	_ = 	snop;
	(pc) =	sbr.rel .LBB2_6-.Ltmp5, $1  }
0x5e: {  	_ =	sdelay $0x3  }
.LBB2_8:
0x5f: {  	_ =	sfence.sel $0x180000  }
0x60: {  	s2 =	simm.s32 $0x2;
	[bflag:$0x0] =	sbarrier.arrive $0xFFFF  }
0x61: {  	s30 =	simm.s32 $0x3;
	[sflag:s2] =	ssyncpa.u1 $0x1  }
0x62: {  	s31 =	simm.s32 $0x1;
	[sflag:s30] =	ssyncpa.u1 $0x1  }
0x63: {  	[sflag:s31] =	ssyncpa.u1 $0x1  }
0x64: {  	p0 =	sne.s32 s0, $0x0;
	_ =	strace $0x90000047  }
0x65: {  	s0 =	sadd.s32 @!p0 $0x100000, s1;
	[bflag:$0x2] =	sbarrier.arrive $0xFFFF  }
0x66: {  	[sflag:s0] =	ssyncadd.tile.s32 @!p0 $0x1;
	_ =	shalt  }
.Lfunc_end2:
_tile_overlayer_lowered:
.L_overlay_start_2:
0x67: {  	(tag) =	ssettag $0x2  }
0x68: {  	s0 =	rddreg [dreg:$0x0];
	s2 =	stileid.u32  }
0x69: {  	s1 =	rddreg [dreg:$0x1];
	p0 =	sne.s32 s2, $0x0  }
0x6a: {  	s3 =	rddreg [dreg:$0x2];
	[bflag:$0x3] =	sbarrier.arrive $0xFFFF;
	s2 =	simm.s32 @!p0 $0x1C01  }
0x6b: {  	[timem:s3], [sflag:s2] =	dma.local @!p0 [hbm:s0], s1  }
0x6c: {  	s0 =	simm.s32 @!p0 $0x1  }
0x6d: {  	_ =	swait.ge @!p0 [sflag:s0], s1  }
0x6e: {  	s1 =	ssub.s32 @!p0 $0x0, s1;
	[sflag:s0] =	ssyncset.done @!p0 $0x0  }
0x6f: {  	[sflag:s0] =	ssyncadd.s32 @!p0 s1  }
0x70: {  	[bflag:$0x3] =	sbarrier.arrive $0xFFFF  }
0x71: {  	_ =	shalt  }

// kernel: gather_offload_async_start.2
scs
__scs_entry_jumppad:
0x0: {  	(pc) =	sbr.rel $0x88, $3  }
0x1: {  	(tag) =	ssettag $0x0;
	lr =	simm.s32 $0x1  }
0x2: {  	[smem:$0x3F9B] =	sst lr;
	_ =	strace $0xD0000000  }
0x3: {  	_ = 	snop  }
0x4: {  	_ = 	snop  }
0x5: {  	_ = 	snop  }
0x6: {  	_ = 	snop  }
0x7: {  	_ = 	snop  }
__scs_overlays_trampoline_lowered:
0x8: {  	[smem:$0x3FAA] =	sst s0  }
0x9: {  	[smem:$0x3FAB] =	sst s1  }
0xa: {  	[smem:$0x3FAC] =	sst s2  }
0xb: {  	[smem:$0x3FAD] =	sst s3  }
0xc: {  	[smem:$0x3FAE] =	sst s4  }
0xd: {  	[smem:$0x3FAF] =	sst s5  }
0xe: {  	[smem:$0x3FB0] =	sst s6  }
0xf: {  	[smem:$0x3FB1] =	sst s7  }
0x10: {  	[smem:$0x3FB2] =	sst s8  }
0x11: {  	[smem:$0x3FB3] =	sst s9;
	s0 =	simm.s32 @!p0 $0x0  }
0x12: {  	s1 =	sld [smem:$0x3F99];
	s0 =	simm.s32 @p0 $0x1  }
0x13: {  	[smem:$0x3FB4] =	sst s0;
	s0 =	simm.s32 @!p1 $0x0  }
0x14: {  	s2 =	sld [smem:$0x3F98];
	s0 =	simm.s32 @p1 $0x1  }
0x15: {  	[smem:$0x3FB5] =	sst s0;
	s0 =	simm.s32 @!p2 $0x0  }
0x16: {  	s3 =	sld [smem:$0x3FDB];
	s0 =	simm.s32 @p2 $0x1  }
0x17: {  	s4 =	simm.s32 $0x1BF5;
	[smem:$0x3FB7] =	sst s0  }
0x18: {  	s0 =	sld [smem:$0x3F9A];
	_ =	swait.ge [sflag:s4], $0x0  }
0x19: {  	s7 =	sld [smem:$0x3F9B]  }
0x1a: {  	s8 =	sadd.s32 $0xFFFFE003, lr  }
0x1b: {  	s9 =	sadd.s32 $0xFFFFFEF7, lr;
	s5 =	simm.s32 $0xFFFFFFFF;
	p2 =	slt.u32 s8, $0xFFFFF086  }
0x1c: {  	p1 =	slt.u32 s9, $0xF7A;
	s5 =	simm.s32 @!p2 $0x0  }
0x1d: {  	s5 =	simm.s32 @p1 $0x1;
	p0 =	seq.s32 s7, s2  }
0x1e: {  	s7 =	smul.u32 @!p0 $0xF7A, s2;
	p2 =	seq.s32 @!p0 s5, $0x0  }
0x1f: {  	s9 =	smul.u32 $0xF7A, s1;
	s8 =	simm.s32 @!p0 $0x1BF5;
	p2 =	por !p2, p0  }
0x20: {  	[sflag:s8] =	ssyncset.s32 @!p0 $0xFFFFF086;
	s6 =	sadd.s32 @!p0 s3, s7;
	s7 =	simm.s32 @!p0 $0x108  }
0x21: {  	s3 =	sadd.s32 s3, s9;
	s6 =	sadd.s32 @!p0 $0x88, s6;
	s7 =	simm.s32 @p2 $0x1082  }
0x22: {  	[simem:s7], [sflag:s8] =	dma.local @!p0 [hbm:s6], $0xF7A  }
0x23: {  	s9 =	sor.u32 $0xD0000000, s2;
	s6 =	simm.s32 $0x108;
	_ =	swait.ge @!p0 [sflag:s8], $0x0  }
0x24: {  	s3 =	sadd.s32 $0x88, s3;
	s6 =	simm.s32 @!p1 $0x1082;
	[sflag:s4] =	ssyncset.s32 $0xFFFFF086  }
0x25: {  	[simem:s6], [sflag:s4] =	dma.local [hbm:s3], $0xF7A  }
0x26: {  	[smem:$0x3F9B] =	sst s1;
	(tag) =	ssettag s2;
	_ =	strace s9  }
0x27: {  	s1 =	sld [smem:$0x3FAB]  }
0x28: {  	s2 =	sld [smem:$0x3FAC]  }
0x29: {  	s4 =	sld [smem:$0x3FAE]  }
0x2a: {  	p0 =	seq.s32 s5, $0x0;
	s5 =	sld [smem:$0x3FAF]  }
0x2b: {  	s6 =	sld [smem:$0x3FB0]  }
0x2c: {  	s7 =	sld [smem:$0x3FB1]  }
0x2d: {  	s3 =	simm.s32 $0x108;
	s8 =	sld [smem:$0x3FB2]  }
0x2e: {  	s3 =	simm.s32 @!p0 $0x1082;
	s9 =	sld [smem:$0x3FB3]  }
0x2f: {  	lr =	sadd.s32 s0, s3;
	s0 =	sld [smem:$0x3FAA]  }
0x30: {  	s3 =	sld [smem:$0x3FAD]  }
0x31: {  	[smem:$0x3FB6] =	sst s10  }
0x32: {  	s10 =	sld [smem:$0x3FB4];
	_ =	sdelay $0x3  }
0x33: {  	p0 =	seq.s32 s10, $0x1;
	s10 =	sld [smem:$0x3FB6];
	_ =	sdelay $0x3  }
0x34: {  	[smem:$0x3FB6] =	sst s10  }
0x35: {  	s10 =	sld [smem:$0x3FB5];
	_ =	sdelay $0x3  }
0x36: {  	p1 =	seq.s32 s10, $0x1;
	s10 =	sld [smem:$0x3FB6];
	_ =	sdelay $0x3  }
0x37: {  	[smem:$0x3FB6] =	sst s10  }
0x38: {  	s10 =	sld [smem:$0x3FB7]  }
0x39: {  	_ = 	snop;
	(pc) =	sbr.ind lr, $3  }
0x3a: {  	_ = 	snop  }
0x3b: {  	_ = 	snop  }
0x3c: {  	p2 =	seq.s32 s10, $0x1;
	s10 =	sld [smem:$0x3FB6]  }
0x3d: {  	_ =	shalt  }
0x3e: {  	_ =	shalt  }
0x3f: {  	_ =	shalt  }
0x40: {  	_ =	shalt  }
0x41: {  	_ =	shalt  }
0x42: {  	_ =	shalt  }
0x43: {  	_ =	shalt  }
0x44: {  	_ =	shalt  }
0x45: {  	_ =	shalt  }
0x46: {  	_ =	shalt  }
0x47: {  	_ =	shalt  }
0x48: {  	_ =	shalt  }
0x49: {  	_ =	shalt  }
0x4a: {  	_ =	shalt  }
0x4b: {  	_ =	shalt  }
0x4c: {  	_ =	shalt  }
0x4d: {  	_ =	shalt  }
0x4e: {  	_ =	shalt  }
0x4f: {  	_ =	shalt  }
0x50: {  	_ =	shalt  }
0x51: {  	_ =	shalt  }
0x52: {  	_ =	shalt  }
0x53: {  	_ =	shalt  }
0x54: {  	_ =	shalt  }
0x55: {  	_ =	shalt  }
0x56: {  	_ =	shalt  }
0x57: {  	_ =	shalt  }
0x58: {  	_ =	shalt  }
0x59: {  	_ =	shalt  }
0x5a: {  	_ =	shalt  }
0x5b: {  	_ =	shalt  }
0x5c: {  	_ =	shalt  }
0x5d: {  	_ =	shalt  }
0x5e: {  	_ =	shalt  }
0x5f: {  	_ =	shalt  }
0x60: {  	_ =	shalt  }
0x61: {  	_ =	shalt  }
0x62: {  	_ =	shalt  }
0x63: {  	_ =	shalt  }
0x64: {  	_ =	shalt  }
0x65: {  	_ =	shalt  }
0x66: {  	_ =	shalt  }
0x67: {  	_ =	shalt  }
0x68: {  	_ =	shalt  }
0x69: {  	_ =	shalt  }
0x6a: {  	_ =	shalt  }
0x6b: {  	_ =	shalt  }
0x6c: {  	_ =	shalt  }
0x6d: {  	_ =	shalt  }
0x6e: {  	_ =	shalt  }
0x6f: {  	_ =	shalt  }
0x70: {  	_ =	shalt  }
0x71: {  	_ =	shalt  }
0x72: {  	_ =	shalt  }
0x73: {  	_ =	shalt  }
0x74: {  	_ =	shalt  }
0x75: {  	_ =	shalt  }
0x76: {  	_ =	shalt  }
0x77: {  	_ =	shalt  }
0x78: {  	_ =	shalt  }
0x79: {  	_ =	shalt  }
0x7a: {  	_ =	shalt  }
0x7b: {  	_ =	shalt  }
0x7c: {  	_ =	shalt  }
0x7d: {  	_ =	shalt  }
0x7e: {  	_ =	shalt  }
0x7f: {  	_ =	shalt  }
0x80: {  	_ =	shalt  }
0x81: {  	_ =	shalt  }
0x82: {  	_ =	shalt  }
0x83: {  	_ =	shalt  }
0x84: {  	_ =	shalt  }
0x85: {  	_ =	shalt  }
0x86: {  	_ =	shalt  }
0x87: {  	_ =	shalt  }
.Lfunc_end0:
.L_simem_size_0:
called_computation.2_lowered:
.L_overlay_start_0:
0x88: {  	s2 =	sld [smem:$0x3FD9]  }
0x89: {  	s3 =	sld [smem:$0x3FFE];
	_ =	sdelay $0x1  }
0x8a: {  	s1 =	srdreg.scid  }
0x8b: {  	s0 =	sand.u32 $0x1, s1  }
0x8c: {  	s16 =	sshll.u32 s0, $0xA;
	s2 =	sadd.s32 s3, s2  }
0x8d: {  	s2 =	sadd.s32 s2, s16  }
0x8e: {  	[smem:$0x3FC2] =	sst s2  }
0x8f: {  	_ = 	snop  }
0x90: {  	(tm) =	ssettm $0x1  }
0x91: {  	s17 =	sld [smem:$0x3FFB];
	_ =	sdelay $0x3  }
0x92: {  	_ =	strace s17  }
0x93: {  	s2 =	sld [smem:$0x3FFC];
	_ =	sdelay $0x3  }
0x94: {  	_ =	strace s2  }
0x95: {  	s2 =	sld [smem:$0x3FFD];
	_ =	sdelay $0x3  }
0x96: {  	_ =	strace s2  }
0x97: {  	_ =	strace $0x8FFFFFFF  }
0x98: {  	s18 =	sld [smem:$0x3FDB];
	_ =	sdelay $0x1  }
0x99: {  	s19 =	simm.s32 $_scs_section_size  }
0x9a: {  	s4 =	simm.s32 $_size__tile_overlayer_lowered;
	s5 =	simm.s32 $_tile_overlayer_lowered  }
0x9b: {  	s22 =	simm.s32 $0x1BFF;
	s21 =	sshll.u32 s5, $0x1;
	s2 =	sadd.s32 s19, s18  }
0x9c: {  	s6 =	simm.s32 $0x0;
	s20 =	sshll.u32 s4, $0x1;
	s4 =	sadd.s32 s21, s2  }
0x9d: {  	[timem:s6], [sflag:s22] =	dma.local [hbm:s4], s20  }
0x9e: {  	_ =	swait.ge [sflag:s22], s20  }
0x9f: {  	s3 =	ssub.s32 $0x0, s20;
	[sflag:s22] =	ssyncset.done $0x0  }
0xa0: {  	[sflag:s22] =	ssyncadd.s32 s3;
	_ =	sdelay $0x1  }
0xa1: {  	s23 =	simm.s32 $0x1B8B  }
0xa2: {  	_ =	swait.ge [sflag:s23], $0x1  }
0xa3: {  	[sflag:s23] =	ssyncset.done $0x0  }
0xa4: {  	s25 =	simm.s32 $0x1B8E;
	s24 =	sld [smem:$0x3FFE];
	[sflag:s23] =	ssyncadd.s32 $0xFFFFFFFF  }
0xa5: {  	s26 =	simm.s32 $execute0_lowered;
	[smem:$0x3FD2] =	sst s25  }
0xa6: {  	s4 =	sshll.u32 s26, $0x1;
	_ =	strace $0x8000004C;
	[dreg:$0x1] =	wrdreg $0xFFFFFFFF  }
0xa7: {  	s28 =	simm.s32 $_size_execute0_lowered;
	s2 =	sadd.s32 s2, s4;
	[dreg:$0x0] =	wrdreg $0x0  }
0xa8: {  	s4 =	sshll.u32 s28, $0x1;
	[dreg:$0x2] =	wrdreg s2  }
0xa9: {  	[dreg:$0x3] =	wrdreg s4  }
0xaa: {  	[dreg:$0x4] =	wrdreg $0xC0  }
0xab: {  	_ =	task [dreg:s6], $0x5FFFF  }
0xac: {  	[dreg:$0x1] =	wrdreg $0xFFFFFFFF  }
0xad: {  	[dreg:$0x0] =	wrdreg $0x60  }
0xae: {  	[dreg:$0x2] =	wrdreg s24  }
0xaf: {  	[dreg:$0x3] =	wrdreg $0x9  }
0xb0: {  	_ =	task.clear_ibuf [dreg:s6], $0x4FFFF;
	_ =	strace $0x9000004C  }
0xb1: {  	s29 =	simm.s32 $0x9;
	_ =	strace $0x8000004E  }
0xb2: {  	_ =	swait.ge [sflag:s29], $0x1  }
0xb3: {  	[sflag:s29] =	ssyncadd.s32 $0xFFFFFFFF  }
0xb4: {  	_ =	strace $0x9000004E  }
0xb5: {  	_ =	sfence  }
0xb6: {  	s30 =	sld [smem:$0x0];
	_ =	sdelay $0x2  }
0xb7: {  	s31 =	sshll.u32 s1, $0xD;
	s1 =	sshrl.u32 s1, $0x2  }
0xb8: {  	s3 =	sand.u32 $0x4000, s31;
	s1 =	sadd.s32 s1, s30  }
0xb9: {  	s0 =	sor.u32 s3, s0;
	s1 =	sshll.u32 s1, $0x11  }
0xba: {  	s0 =	sor.u32 s1, s0  }
0xbb: {  	s0 =	sadd.s32 $0x8F2B, s0  }
0xbc: {  	[sflag:s0] =	ssyncadd.remote.s32 $0x1  }
0xbd: {  	_ =	sfence.sel $0xFFFF  }
0xbe: {  	[dreg:$0x0] =	wrdreg $0xFFFFFFFF;
	(pc) =	sbr.abs _section_cstart, $3  }
0xbf: {  	[dreg:$0x1] =	wrdreg $0xFFFFFFFF  }
0xc0: {  	_ =	task.clear_ibuf [dreg:s6], $0x2FFFF;
	_ =	strace $0x9FFFFFFF  }
0xc1: {  	(tm) =	ssettm $0x7FFFFFFF  }
tec
execute0_lowered:
.L_overlay_start_1:
0x0: {  	(tag) =	ssettag $0x1  }
0x1: {  	s0 =	srdreg.scid  }
0x2: {  	s1 =	sshll.u32 s0, $0x4  }
0x3: {  	s0 =	stileid.u32;
	s1 =	sand.u32 $0x10, s1  }
0x4: {  	s1 =	sor.u32 s0, s1  }
0x5: {  	s2 =	smin.u32 s1, $0x12  }
0x6: {  	s2 =	sadd.s32 s1, s2  }
0x7: {  	p0 =	slt.u32 s1, $0x12;
	s1 =	simm.s32 $0x140;
	s2 =	smul.u32 $0xA0, s2  }
0x8: {  	s1 =	simm.s32 @!p0 $0xA0  }
0x9: {  	s1 =	sadd.s32 s1, s2  }
0xa: {  	s3 =	smin.u32 s1, $0x1F40  }
0xb: {  	s7 =	ssub.s32 s3, s2  }
0xc: {  	p0 =	sgt.s32 s7, $0x0  }
0xd: {  	s7 =	simm.s32 @!p0 $0x0  }
0xe: {  	s31 =	smul.u32 $0xCCCD, s7  }
0xf: {  	s4 =	rddreg [dreg:$0x0];
	s6 =	simm.s32 $0x1  }
0x10: {  	s10 =	simm.s32 $0x3;
	s13 =	simm.s32 $0x0;
	s8 =	sshrl.u32 s31, $0x17  }
0x11: {  	s12 =	simm.s32 $0x0;
	s5 =	sadd.s32 $0x271400, s4;
	s9 =	smul.u32 $0xA0, s8  }
.Ltmp0:
0x12: {  	s11 =	smov.u32 s2;
	s1 =	rddreg [dreg:$0x1];
	(pc) =	sbr.rel .LBB2_1-.Ltmp0, $4  }
0x13: {  	_ =	strace $0x8000004D;
	p0 =	sne.s32 s7, s9;
	s9 =	simm.s32 $0x1  }
0x14: {  	[sflag:s6] =	ssyncpa.u1 $0x0;
	s7 =	simm.s32 $0x2;
	s9 =	simm.s32 @!p0 $0x0  }
0x15: {  	[sflag:s7] =	ssyncpa.u1 $0x0;
	p0 =	por $0x0, $0x0;
	s8 =	sadd.s32 s8, s9  }
0x16: {  	vm0 =	vmmov $0xff;
	vm1 =	vcmask $0x3F20;
	s9 =	sadd.s32 $0x271800, s4;
	[sflag:s10] =	ssyncpa.u1 $0x0;
	s10 =	sadd.s32 $0x1, s8  }
.LBB2_6:
0x17: {  	[hbm:s17] =	stream.linear.scatter [tilespmem:s14], [sflag:$0x3], $0x400, $0x38;
	[tilespmem:$0xA140] =	vst v63  }
.LBB2_7:
0x18: {  	s13 =	sadd.s32 $0xA0, s11  }
0x19: {  	s15 =	smov.u32 s2;
	p2 =	slt.s32 s13, s3  }
0x1a: {  	s15 =	smov.u32 @p2 s13;
	p2 =	sne.s32 s12, s10  }
.Ltmp1:
0x1b: {  	p1 =	slt.u32 s12, $0x2;
	(pc) =	sbr.rel @!p2 .LBB2_8-.Ltmp1, $4  }
0x1c: {  	s14 =	simm.s32 @!p1 $0x3  }
0x1d: {  	s16 =	sadd.s32 $0x1, s12;
	_ =	swait.ge @!p1 [sflag:s14], $0x5000  }
0x1e: {  	p0 =	por !p0, !p0;
	s13 =	smov.u32 s11;
	[sflag:s14] =	ssyncset.done @!p1 $0x0  }
0x1f: {  	s12 =	smov.u32 s16;
	s11 =	smov.u32 s15;
	[sflag:s14] =	ssyncadd.s32 @!p1 $0xFFFFB000  }
.LBB2_1:
0x20: {  	p1 =	sge.u32 s12, s8  }
0x21: {  	s14 =	sxor.u32 @!p1 $0xFFFFFFFF, s12  }
0x22: {  	s14 =	sand.u32 @!p1 $0x1, s14  }
0x23: {  	s14 =	smul.u32 @!p1 $0x280, s14  }
0x24: {  	s31 =	sadd.s32 $0xFFFFFFFF, s12;
	s15 =	sshrl.u32 @!p1 s11, $0x3  }
0x25: {  	s16 =	sand.u32 @!p1 $0x7, s11;
	s15 =	sadd.s32 @!p1 s5, s15;
	s14 =	sshrl.u32 @!p1 s14, $0x2  }
0x26: {  	[tilespmem:s14], [sflag:$0x2] =	stream.linear.gather @!p1 [hbm4b:s15+s16], $0xA0, $0x38;
	[tilespmem:$0xA140] =	vst v63  }
0x27: {  	p1 =	sge.u32 s31, s8  }
.Ltmp2:
0x28: {  	_ = 	snop;
	(pc) =	sbr.rel @p1 .LBB2_7-.Ltmp2, $1  }
0x29: {  	_ =	sdelay $0x3  }
0x2a: {  	s14 =	simm.s32 $0x1  }
0x2b: {  	s14 =	simm.s32 @!p0 $0x0  }
0x2c: {  	s15 =	smul.u32 $0x280, s14  }
0x2d: {  	_ =	swait.ge [sflag:s7], $0xA0  }
0x2e: {  	[sflag:s7] =	ssyncset.done $0x0;
	s16 =	sshrl.u32 s15, $0x2  }
0x2f: {  	[sflag:s7] =	ssyncadd.s32 $0xFFFFFF60;
	s15 =	sadd.s32 $0x0, s16  }
0x30: {  	v0 =	vld.msk [tilespmem:s15+$0x0 ss:$0x1], $0xffff;
	_ =	sdelay $0x4  }
0x31: {  	v1 =	vand.u32 $0x7, v0;
	v2 =	vshll.u32 v0, $0x4  }
0x32: {  	vm2 =	veq.s32 v0, $0x80000000;
	v0 =	vmul.u32 $0x271000, v1;
	v1 =	vand.u32 $0x3FFF80, v2  }
0x33: {  	v1 =	vsel vm2, $0xFFFFFF80, v1  }
0x34: {  	v0 =	vsel vm2, $0xFFD8F000, v0;
	v2 =	vand.u32 $0xFFFFFC00, v1  }
0x35: {  	v1 =	vand.u32 $0x380, v1;
	v0 =	vadd.s32 v0, v2  }
0x36: {  	v0 =	vor.u32 v1, v0  }
0x37: {  	v0 =	vshrl.u32 v0, $0x3  }
0x38: {  	s14 =	smul.u32 $0x14000, s14;
	_ =	sdelay $0x1  }
0x39: {  	s14 =	sshrl.u32 s14, $0x2  }
0x3a: {  	s14 =	sor.u32 $0x140, s14  }
0x3b: {  	[tilespmem:s14], [sflag:$0x1] =	stream.indirect_vreg.gather [hbm:s4], $0x80, v0, vm0, $0x38;
	[tilespmem:$0xA140] =	vst v63  }
0x3c: {  	s17 =	sadd.s32 $0x10, s16;
	s15 =	sadd.s32 $0x400, s14  }
0x3d: {  	[tilespmem:s15], [sflag:$0x1] =	stream.indirect_vreg.gather [hbm:s4], $0x80, v0, vm1, $0x38;
	[tilespmem:$0xA140] =	vst v63  }
0x3e: {  	s18 =	simm.s32 $0x80;
	v0 =	vld.msk [tilespmem:s17+$0x0 ss:$0x1], $0xffff;
	s17 =	smov.u32 s14  }
.LBB2_3:
0x3f: {  	p1 =	sne.s32 s18, $0x240;
	_ =	sdelay $0x4  }
0x40: {  	v1 =	vand.u32 $0x7, v0;
	v2 =	vshll.u32 v0, $0x4  }
0x41: {  	vm2 =	veq.s32 v0, $0x80000000;
	v0 =	vmul.u32 $0x271000, v1;
	v1 =	vand.u32 $0x3FFF80, v2  }
0x42: {  	v1 =	vsel vm2, $0xFFFFFF80, v1  }
0x43: {  	v0 =	vsel vm2, $0xFFD8F000, v0;
	v2 =	vand.u32 $0xFFFFFC00, v1  }
0x44: {  	v1 =	vand.u32 $0x380, v1;
	v0 =	vadd.s32 v0, v2  }
0x45: {  	v0 =	vor.u32 v1, v0  }
0x46: {  	v0 =	vshrl.u32 v0, $0x3;
	_ =	sdelay $0x3  }
.Ltmp3:
0x47: {  	s19 =	sshra.s32 s18, $0x2;
	s17 =	sadd.s32 $0x800, s17;
	(pc) =	sbr.rel @p1 .LBB2_3-.Ltmp3, $4  }
0x48: {  	[tilespmem:s17], [sflag:$0x1] =	stream.indirect_vreg.gather [hbm:s4], $0x80, v0, vm0, $0x38;
	[tilespmem:$0xA140] =	vst v63  }
0x49: {  	s19 =	sadd.s32 s19, s16;
	s20 =	sadd.s32 $0x400, s17  }
0x4a: {  	[tilespmem:s20], [sflag:$0x1] =	stream.indirect_vreg.gather [hbm:s4], $0x80, v0, vm1, $0x38;
	[tilespmem:$0xA140] =	vst v63  }
0x4b: {  	s18 =	sadd.s32 $0x40, s18;
	v0 =	vld.msk [tilespmem:s19+$0x0 ss:$0x1], $0xffff  }
0x4c: {  	_ =	sdelay $0x3  }
0x4d: {  	v1 =	vand.u32 $0x7, v0;
	v2 =	vshll.u32 v0, $0x4  }
0x4e: {  	vm2 =	veq.s32 v0, $0x80000000;
	v61 =	vmul.u32 $0x271000, v1;
	v62 =	vand.u32 $0x3FFF80, v2  }
0x4f: {  	v1 =	vsel vm2, $0xFFFFFF80, v62  }
0x50: {  	v0 =	vsel vm2, $0xFFD8F000, v61;
	v63 =	vand.u32 $0xFFFFFC00, v1  }
0x51: {  	v1 =	vand.u32 $0x380, v1;
	v0 =	vadd.s32 v0, v63  }
0x52: {  	v0 =	vor.u32 v1, v0  }
0x53: {  	v0 =	vshrl.u32 v0, $0x3;
	_ =	sdelay $0x3  }
0x54: {  	s16 =	sadd.s32 $0x800, s17  }
0x55: {  	[tilespmem:s16], [sflag:$0x1] =	stream.indirect_vreg.gather [hbm:s4], $0x80, v0, vm0, $0x38;
	[tilespmem:$0xA140] =	vst v63  }
0x56: {  	s16 =	sadd.s32 $0x400, s16  }
0x57: {  	[tilespmem:s16], [sflag:$0x1] =	stream.indirect_vreg.gather [hbm:s4], $0x80, v0, vm1, $0x38;
	[tilespmem:$0xA140] =	vst v63  }
0x58: {  	s13 =	sshll.u32 s13, $0x4;
	_ =	swait.ge [sflag:s6], $0x5000  }
0x59: {  	s13 =	sadd.s32 s13, s9;
	[sflag:s6] =	ssyncset.done $0x0  }
0x5a: {  	s17 =	sadd.s32 $0x0, s13;
	s16 =	simm.s32 $0x80;
	[sflag:s6] =	ssyncadd.s32 $0xFFFFB000  }
.LBB2_5:
0x5b: {  	[hbm:s17] =	stream.linear.scatter [tilespmem:s14], [sflag:$0x3], $0x400, $0x38;
	[tilespmem:$0xA140] =	vst v63  }
0x5c: {  	s17 =	smov.u32 s16;
	s14 =	smov.u32 s15;
	p1 =	sne.s32 s16, $0x980  }
.Ltmp4:
0x5d: {  	s16 =	sadd.s32 $0x80, s16;
	(pc) =	sbr.rel @p1 .LBB2_5-.Ltmp4, $2  }
0x5e: {  	_ =	sdelay $0x2  }
0x5f: {  	s15 =	sadd.s32 $0x400, s15;
	s17 =	sadd.s32 s17, s13  }
.Ltmp5:
0x60: {  	_ = 	snop;
	(pc) =	sbr.rel .LBB2_6-.Ltmp5, $1  }
0x61: {  	_ =	sdelay $0x3  }
.LBB2_8:
0x62: {  	_ =	sfence.sel $0x180000  }
0x63: {  	s2 =	simm.s32 $0x2;
	[bflag:$0x0] =	sbarrier.arrive $0xFFFF  }
0x64: {  	s30 =	simm.s32 $0x3;
	[sflag:s2] =	ssyncpa.u1 $0x1  }
0x65: {  	s31 =	simm.s32 $0x1;
	[sflag:s30] =	ssyncpa.u1 $0x1  }
0x66: {  	[sflag:s31] =	ssyncpa.u1 $0x1  }
0x67: {  	p0 =	sne.s32 s0, $0x0;
	_ =	strace $0x9000004D  }
0x68: {  	s0 =	sadd.s32 @!p0 $0x100000, s1;
	[bflag:$0x2] =	sbarrier.arrive $0xFFFF  }
0x69: {  	[sflag:s0] =	ssyncadd.tile.s32 @!p0 $0x1;
	_ =	shalt  }
.Lfunc_end2:
_tile_overlayer_lowered:
.L_overlay_start_2:
0x6a: {  	(tag) =	ssettag $0x2  }
0x6b: {  	s0 =	rddreg [dreg:$0x0];
	s2 =	stileid.u32  }
0x6c: {  	s1 =	rddreg [dreg:$0x1];
	p0 =	sne.s32 s2, $0x0  }
0x6d: {  	s3 =	rddreg [dreg:$0x2];
	[bflag:$0x3] =	sbarrier.arrive $0xFFFF;
	s2 =	simm.s32 @!p0 $0x1C01  }
0x6e: {  	[timem:s3], [sflag:s2] =	dma.local @!p0 [hbm:s0], s1  }
0x6f: {  	s0 =	simm.s32 @!p0 $0x1  }
0x70: {  	_ =	swait.ge @!p0 [sflag:s0], s1  }
0x71: {  	s1 =	ssub.s32 @!p0 $0x0, s1;
	[sflag:s0] =	ssyncset.done @!p0 $0x0  }
0x72: {  	[sflag:s0] =	ssyncadd.s32 @!p0 s1  }
0x73: {  	[bflag:$0x3] =	sbarrier.arrive $0xFFFF  }
0x74: {  	_ =	shalt  }

// kernel: gather_offload_async_start.3
scs
__scs_entry_jumppad:
0x0: {  	(pc) =	sbr.rel $0x88, $3  }
0x1: {  	(tag) =	ssettag $0x0;
	lr =	simm.s32 $0x1  }
0x2: {  	[smem:$0x3F9B] =	sst lr;
	_ =	strace $0xD0000000  }
0x3: {  	_ = 	snop  }
0x4: {  	_ = 	snop  }
0x5: {  	_ = 	snop  }
0x6: {  	_ = 	snop  }
0x7: {  	_ = 	snop  }
__scs_overlays_trampoline_lowered:
0x8: {  	[smem:$0x3FAA] =	sst s0  }
0x9: {  	[smem:$0x3FAB] =	sst s1  }
0xa: {  	[smem:$0x3FAC] =	sst s2  }
0xb: {  	[smem:$0x3FAD] =	sst s3  }
0xc: {  	[smem:$0x3FAE] =	sst s4  }
0xd: {  	[smem:$0x3FAF] =	sst s5  }
0xe: {  	[smem:$0x3FB0] =	sst s6  }
0xf: {  	[smem:$0x3FB1] =	sst s7  }
0x10: {  	[smem:$0x3FB2] =	sst s8  }
0x11: {  	[smem:$0x3FB3] =	sst s9;
	s0 =	simm.s32 @!p0 $0x0  }
0x12: {  	s1 =	sld [smem:$0x3F99];
	s0 =	simm.s32 @p0 $0x1  }
0x13: {  	[smem:$0x3FB4] =	sst s0;
	s0 =	simm.s32 @!p1 $0x0  }
0x14: {  	s2 =	sld [smem:$0x3F98];
	s0 =	simm.s32 @p1 $0x1  }
0x15: {  	[smem:$0x3FB5] =	sst s0;
	s0 =	simm.s32 @!p2 $0x0  }
0x16: {  	s3 =	sld [smem:$0x3FDB];
	s0 =	simm.s32 @p2 $0x1  }
0x17: {  	s4 =	simm.s32 $0x1BF5;
	[smem:$0x3FB7] =	sst s0  }
0x18: {  	s0 =	sld [smem:$0x3F9A];
	_ =	swait.ge [sflag:s4], $0x0  }
0x19: {  	s7 =	sld [smem:$0x3F9B]  }
0x1a: {  	s8 =	sadd.s32 $0xFFFFE003, lr  }
0x1b: {  	s9 =	sadd.s32 $0xFFFFFEF7, lr;
	s5 =	simm.s32 $0xFFFFFFFF;
	p2 =	slt.u32 s8, $0xFFFFF086  }
0x1c: {  	p1 =	slt.u32 s9, $0xF7A;
	s5 =	simm.s32 @!p2 $0x0  }
0x1d: {  	s5 =	simm.s32 @p1 $0x1;
	p0 =	seq.s32 s7, s2  }
0x1e: {  	s7 =	smul.u32 @!p0 $0xF7A, s2;
	p2 =	seq.s32 @!p0 s5, $0x0  }
0x1f: {  	s9 =	smul.u32 $0xF7A, s1;
	s8 =	simm.s32 @!p0 $0x1BF5;
	p2 =	por !p2, p0  }
0x20: {  	[sflag:s8] =	ssyncset.s32 @!p0 $0xFFFFF086;
	s6 =	sadd.s32 @!p0 s3, s7;
	s7 =	simm.s32 @!p0 $0x108  }
0x21: {  	s3 =	sadd.s32 s3, s9;
	s6 =	sadd.s32 @!p0 $0x88, s6;
	s7 =	simm.s32 @p2 $0x1082  }
0x22: {  	[simem:s7], [sflag:s8] =	dma.local @!p0 [hbm:s6], $0xF7A  }
0x23: {  	s9 =	sor.u32 $0xD0000000, s2;
	s6 =	simm.s32 $0x108;
	_ =	swait.ge @!p0 [sflag:s8], $0x0  }
0x24: {  	s3 =	sadd.s32 $0x88, s3;
	s6 =	simm.s32 @!p1 $0x1082;
	[sflag:s4] =	ssyncset.s32 $0xFFFFF086  }
0x25: {  	[simem:s6], [sflag:s4] =	dma.local [hbm:s3], $0xF7A  }
0x26: {  	[smem:$0x3F9B] =	sst s1;
	(tag) =	ssettag s2;
	_ =	strace s9  }
0x27: {  	s1 =	sld [smem:$0x3FAB]  }
0x28: {  	s2 =	sld [smem:$0x3FAC]  }
0x29: {  	s4 =	sld [smem:$0x3FAE]  }
0x2a: {  	p0 =	seq.s32 s5, $0x0;
	s5 =	sld [smem:$0x3FAF]  }
0x2b: {  	s6 =	sld [smem:$0x3FB0]  }
0x2c: {  	s7 =	sld [smem:$0x3FB1]  }
0x2d: {  	s3 =	simm.s32 $0x108;
	s8 =	sld [smem:$0x3FB2]  }
0x2e: {  	s3 =	simm.s32 @!p0 $0x1082;
	s9 =	sld [smem:$0x3FB3]  }
0x2f: {  	lr =	sadd.s32 s0, s3;
	s0 =	sld [smem:$0x3FAA]  }
0x30: {  	s3 =	sld [smem:$0x3FAD]  }
0x31: {  	[smem:$0x3FB6] =	sst s10  }
0x32: {  	s10 =	sld [smem:$0x3FB4];
	_ =	sdelay $0x3  }
0x33: {  	p0 =	seq.s32 s10, $0x1;
	s10 =	sld [smem:$0x3FB6];
	_ =	sdelay $0x3  }
0x34: {  	[smem:$0x3FB6] =	sst s10  }
0x35: {  	s10 =	sld [smem:$0x3FB5];
	_ =	sdelay $0x3  }
0x36: {  	p1 =	seq.s32 s10, $0x1;
	s10 =	sld [smem:$0x3FB6];
	_ =	sdelay $0x3  }
0x37: {  	[smem:$0x3FB6] =	sst s10  }
0x38: {  	s10 =	sld [smem:$0x3FB7]  }
0x39: {  	_ = 	snop;
	(pc) =	sbr.ind lr, $3  }
0x3a: {  	_ = 	snop  }
0x3b: {  	_ = 	snop  }
0x3c: {  	p2 =	seq.s32 s10, $0x1;
	s10 =	sld [smem:$0x3FB6]  }
0x3d: {  	_ =	shalt  }
0x3e: {  	_ =	shalt  }
0x3f: {  	_ =	shalt  }
0x40: {  	_ =	shalt  }
0x41: {  	_ =	shalt  }
0x42: {  	_ =	shalt  }
0x43: {  	_ =	shalt  }
0x44: {  	_ =	shalt  }
0x45: {  	_ =	shalt  }
0x46: {  	_ =	shalt  }
0x47: {  	_ =	shalt  }
0x48: {  	_ =	shalt  }
0x49: {  	_ =	shalt  }
0x4a: {  	_ =	shalt  }
0x4b: {  	_ =	shalt  }
0x4c: {  	_ =	shalt  }
0x4d: {  	_ =	shalt  }
0x4e: {  	_ =	shalt  }
0x4f: {  	_ =	shalt  }
0x50: {  	_ =	shalt  }
0x51: {  	_ =	shalt  }
0x52: {  	_ =	shalt  }
0x53: {  	_ =	shalt  }
0x54: {  	_ =	shalt  }
0x55: {  	_ =	shalt  }
0x56: {  	_ =	shalt  }
0x57: {  	_ =	shalt  }
0x58: {  	_ =	shalt  }
0x59: {  	_ =	shalt  }
0x5a: {  	_ =	shalt  }
0x5b: {  	_ =	shalt  }
0x5c: {  	_ =	shalt  }
0x5d: {  	_ =	shalt  }
0x5e: {  	_ =	shalt  }
0x5f: {  	_ =	shalt  }
0x60: {  	_ =	shalt  }
0x61: {  	_ =	shalt  }
0x62: {  	_ =	shalt  }
0x63: {  	_ =	shalt  }
0x64: {  	_ =	shalt  }
0x65: {  	_ =	shalt  }
0x66: {  	_ =	shalt  }
0x67: {  	_ =	shalt  }
0x68: {  	_ =	shalt  }
0x69: {  	_ =	shalt  }
0x6a: {  	_ =	shalt  }
0x6b: {  	_ =	shalt  }
0x6c: {  	_ =	shalt  }
0x6d: {  	_ =	shalt  }
0x6e: {  	_ =	shalt  }
0x6f: {  	_ =	shalt  }
0x70: {  	_ =	shalt  }
0x71: {  	_ =	shalt  }
0x72: {  	_ =	shalt  }
0x73: {  	_ =	shalt  }
0x74: {  	_ =	shalt  }
0x75: {  	_ =	shalt  }
0x76: {  	_ =	shalt  }
0x77: {  	_ =	shalt  }
0x78: {  	_ =	shalt  }
0x79: {  	_ =	shalt  }
0x7a: {  	_ =	shalt  }
0x7b: {  	_ =	shalt  }
0x7c: {  	_ =	shalt  }
0x7d: {  	_ =	shalt  }
0x7e: {  	_ =	shalt  }
0x7f: {  	_ =	shalt  }
0x80: {  	_ =	shalt  }
0x81: {  	_ =	shalt  }
0x82: {  	_ =	shalt  }
0x83: {  	_ =	shalt  }
0x84: {  	_ =	shalt  }
0x85: {  	_ =	shalt  }
0x86: {  	_ =	shalt  }
0x87: {  	_ =	shalt  }
.Lfunc_end0:
.L_simem_size_0:
called_computation.3_lowered:
.L_overlay_start_0:
0x88: {  	s2 =	sld [smem:$0x3FD9]  }
0x89: {  	s3 =	sld [smem:$0x3FFE];
	_ =	sdelay $0x1  }
0x8a: {  	s1 =	srdreg.scid  }
0x8b: {  	s0 =	sand.u32 $0x1, s1  }
0x8c: {  	s16 =	sshll.u32 s0, $0xA;
	s2 =	sadd.s32 s3, s2  }
0x8d: {  	s2 =	sadd.s32 s2, s16  }
0x8e: {  	[smem:$0x3FC2] =	sst s2  }
0x8f: {  	_ = 	snop  }
0x90: {  	(tm) =	ssettm $0x1  }
0x91: {  	s17 =	sld [smem:$0x3FFB];
	_ =	sdelay $0x3  }
0x92: {  	_ =	strace s17  }
0x93: {  	s2 =	sld [smem:$0x3FFC];
	_ =	sdelay $0x3  }
0x94: {  	_ =	strace s2  }
0x95: {  	s2 =	sld [smem:$0x3FFD];
	_ =	sdelay $0x3  }
0x96: {  	_ =	strace s2  }
0x97: {  	_ =	strace $0x8FFFFFFF  }
0x98: {  	s18 =	sld [smem:$0x3FDB];
	_ =	sdelay $0x1  }
0x99: {  	s19 =	simm.s32 $_scs_section_size  }
0x9a: {  	s4 =	simm.s32 $_size__tile_overlayer_lowered;
	s5 =	simm.s32 $_tile_overlayer_lowered  }
0x9b: {  	s22 =	simm.s32 $0x1BFF;
	s21 =	sshll.u32 s5, $0x1;
	s2 =	sadd.s32 s19, s18  }
0x9c: {  	s6 =	simm.s32 $0x0;
	s20 =	sshll.u32 s4, $0x1;
	s4 =	sadd.s32 s21, s2  }
0x9d: {  	[timem:s6], [sflag:s22] =	dma.local [hbm:s4], s20  }
0x9e: {  	_ =	swait.ge [sflag:s22], s20  }
0x9f: {  	s3 =	ssub.s32 $0x0, s20;
	[sflag:s22] =	ssyncset.done $0x0  }
0xa0: {  	[sflag:s22] =	ssyncadd.s32 s3;
	_ =	sdelay $0x1  }
0xa1: {  	s23 =	simm.s32 $0x1B8B  }
0xa2: {  	_ =	swait.ge [sflag:s23], $0x1  }
0xa3: {  	[sflag:s23] =	ssyncset.done $0x0  }
0xa4: {  	s25 =	simm.s32 $0x1B8E;
	s24 =	sld [smem:$0x3FFE];
	[sflag:s23] =	ssyncadd.s32 $0xFFFFFFFF  }
0xa5: {  	s26 =	simm.s32 $execute0_lowered;
	[smem:$0x3FD2] =	sst s25  }
0xa6: {  	s4 =	sshll.u32 s26, $0x1;
	_ =	strace $0x8000004F;
	[dreg:$0x1] =	wrdreg $0xFFFFFFFF  }
0xa7: {  	s28 =	simm.s32 $_size_execute0_lowered;
	s2 =	sadd.s32 s2, s4;
	[dreg:$0x0] =	wrdreg $0x0  }
0xa8: {  	s4 =	sshll.u32 s28, $0x1;
	[dreg:$0x2] =	wrdreg s2  }
0xa9: {  	[dreg:$0x3] =	wrdreg s4  }
0xaa: {  	[dreg:$0x4] =	wrdreg $0xC0  }
0xab: {  	_ =	task [dreg:s6], $0x5FFFF  }
0xac: {  	[dreg:$0x1] =	wrdreg $0xFFFFFFFF  }
0xad: {  	[dreg:$0x0] =	wrdreg $0x60  }
0xae: {  	[dreg:$0x2] =	wrdreg s24  }
0xaf: {  	[dreg:$0x3] =	wrdreg $0x9  }
0xb0: {  	_ =	task.clear_ibuf [dreg:s6], $0x4FFFF;
	_ =	strace $0x9000004F  }
0xb1: {  	s29 =	simm.s32 $0x9;
	_ =	strace $0x80000051  }
0xb2: {  	_ =	swait.ge [sflag:s29], $0x1  }
0xb3: {  	[sflag:s29] =	ssyncadd.s32 $0xFFFFFFFF  }
0xb4: {  	_ =	strace $0x90000051  }
0xb5: {  	_ =	sfence  }
0xb6: {  	s30 =	sld [smem:$0x0];
	_ =	sdelay $0x2  }
0xb7: {  	s31 =	sshll.u32 s1, $0xD;
	s1 =	sshrl.u32 s1, $0x2  }
0xb8: {  	s3 =	sand.u32 $0x4000, s31;
	s1 =	sadd.s32 s1, s30  }
0xb9: {  	s0 =	sor.u32 s3, s0;
	s1 =	sshll.u32 s1, $0x11  }
0xba: {  	s0 =	sor.u32 s1, s0  }
0xbb: {  	s0 =	sadd.s32 $0x8F2B, s0  }
0xbc: {  	[sflag:s0] =	ssyncadd.remote.s32 $0x1  }
0xbd: {  	_ =	sfence.sel $0xFFFF  }
0xbe: {  	[dreg:$0x0] =	wrdreg $0xFFFFFFFF;
	(pc) =	sbr.abs _section_cstart, $3  }
0xbf: {  	[dreg:$0x1] =	wrdreg $0xFFFFFFFF  }
0xc0: {  	_ =	task.clear_ibuf [dreg:s6], $0x2FFFF;
	_ =	strace $0x9FFFFFFF  }
0xc1: {  	(tm) =	ssettm $0x7FFFFFFF  }
tec
execute0_lowered:
.L_overlay_start_1:
0x0: {  	(tag) =	ssettag $0x1  }
0x1: {  	s0 =	srdreg.scid  }
0x2: {  	s1 =	sshll.u32 s0, $0x4  }
0x3: {  	s0 =	stileid.u32;
	s1 =	sand.u32 $0x10, s1  }
0x4: {  	s1 =	sor.u32 s0, s1  }
0x5: {  	s2 =	smin.u32 s1, $0x12  }
0x6: {  	s2 =	sadd.s32 s1, s2  }
0x7: {  	p0 =	slt.u32 s1, $0x12;
	s1 =	simm.s32 $0x140;
	s2 =	smul.u32 $0xA0, s2  }
0x8: {  	s1 =	simm.s32 @!p0 $0xA0  }
0x9: {  	s1 =	sadd.s32 s1, s2  }
0xa: {  	s3 =	smin.u32 s1, $0x1F40  }
0xb: {  	s7 =	ssub.s32 s3, s2  }
0xc: {  	p0 =	sgt.s32 s7, $0x0  }
0xd: {  	s7 =	simm.s32 @!p0 $0x0  }
0xe: {  	s31 =	smul.u32 $0xCCCD, s7  }
0xf: {  	s4 =	rddreg [dreg:$0x0];
	s6 =	simm.s32 $0x1  }
0x10: {  	s10 =	simm.s32 $0x3;
	s13 =	simm.s32 $0x0;
	s8 =	sshrl.u32 s31, $0x17  }
0x11: {  	s12 =	simm.s32 $0x0;
	s5 =	sadd.s32 $0x290800, s4;
	s9 =	smul.u32 $0xA0, s8  }
.Ltmp0:
0x12: {  	s11 =	smov.u32 s2;
	s1 =	rddreg [dreg:$0x1];
	(pc) =	sbr.rel .LBB2_1-.Ltmp0, $4  }
0x13: {  	_ =	strace $0x80000050;
	p0 =	sne.s32 s7, s9;
	s9 =	simm.s32 $0x1  }
0x14: {  	[sflag:s6] =	ssyncpa.u1 $0x0;
	s7 =	simm.s32 $0x2;
	s9 =	simm.s32 @!p0 $0x0  }
0x15: {  	[sflag:s7] =	ssyncpa.u1 $0x0;
	p0 =	por $0x0, $0x0;
	s8 =	sadd.s32 s8, s9  }
0x16: {  	vm0 =	vmmov $0xff;
	vm1 =	vcmask $0x3F20;
	s9 =	sadd.s32 $0x177000, s4;
	[sflag:s10] =	ssyncpa.u1 $0x0;
	s10 =	sadd.s32 $0x1, s8  }
.LBB2_6:
0x17: {  	[hbm:s17] =	stream.linear.scatter [tilespmem:s14], [sflag:$0x3], $0x400, $0x38;
	[tilespmem:$0xA140] =	vst v63  }
.LBB2_7:
0x18: {  	s13 =	sadd.s32 $0xA0, s11  }
0x19: {  	s15 =	smov.u32 s2;
	p2 =	slt.s32 s13, s3  }
0x1a: {  	s15 =	smov.u32 @p2 s13;
	p2 =	sne.s32 s12, s10  }
.Ltmp1:
0x1b: {  	p1 =	slt.u32 s12, $0x2;
	(pc) =	sbr.rel @!p2 .LBB2_8-.Ltmp1, $4  }
0x1c: {  	s14 =	simm.s32 @!p1 $0x3  }
0x1d: {  	s16 =	sadd.s32 $0x1, s12;
	_ =	swait.ge @!p1 [sflag:s14], $0x5000  }
0x1e: {  	p0 =	por !p0, !p0;
	s13 =	smov.u32 s11;
	[sflag:s14] =	ssyncset.done @!p1 $0x0  }
0x1f: {  	s12 =	smov.u32 s16;
	s11 =	smov.u32 s15;
	[sflag:s14] =	ssyncadd.s32 @!p1 $0xFFFFB000  }
.LBB2_1:
0x20: {  	p1 =	sge.u32 s12, s8  }
0x21: {  	s14 =	sxor.u32 @!p1 $0xFFFFFFFF, s12  }
0x22: {  	s14 =	sand.u32 @!p1 $0x1, s14  }
0x23: {  	s14 =	smul.u32 @!p1 $0x280, s14  }
0x24: {  	s31 =	sadd.s32 $0xFFFFFFFF, s12;
	s15 =	sshrl.u32 @!p1 s11, $0x3  }
0x25: {  	s16 =	sand.u32 @!p1 $0x7, s11;
	s15 =	sadd.s32 @!p1 s5, s15;
	s14 =	sshrl.u32 @!p1 s14, $0x2  }
0x26: {  	[tilespmem:s14], [sflag:$0x2] =	stream.linear.gather @!p1 [hbm4b:s15+s16], $0xA0, $0x38;
	[tilespmem:$0xA140] =	vst v63  }
0x27: {  	p1 =	sge.u32 s31, s8  }
.Ltmp2:
0x28: {  	_ = 	snop;
	(pc) =	sbr.rel @p1 .LBB2_7-.Ltmp2, $1  }
0x29: {  	_ =	sdelay $0x3  }
0x2a: {  	s14 =	simm.s32 $0x1  }
0x2b: {  	s14 =	simm.s32 @!p0 $0x0  }
0x2c: {  	s15 =	smul.u32 $0x280, s14  }
0x2d: {  	_ =	swait.ge [sflag:s7], $0xA0  }
0x2e: {  	[sflag:s7] =	ssyncset.done $0x0;
	s16 =	sshrl.u32 s15, $0x2  }
0x2f: {  	[sflag:s7] =	ssyncadd.s32 $0xFFFFFF60;
	s15 =	sadd.s32 $0x0, s16  }
0x30: {  	v0 =	vld.msk [tilespmem:s15+$0x0 ss:$0x1], $0xffff;
	_ =	sdelay $0x4  }
0x31: {  	v1 =	vand.u32 $0x7, v0;
	v2 =	vshll.u32 v0, $0x4  }
0x32: {  	vm2 =	veq.s32 v0, $0x80000000;
	v0 =	vmul.u32 $0x177000, v1;
	v1 =	vand.u32 $0x1FFF80, v2  }
0x33: {  	v1 =	vsel vm2, $0xFFFFFF80, v1  }
0x34: {  	v0 =	vsel vm2, $0xFFE89000, v0;
	v2 =	vand.u32 $0xFFFFFC00, v1  }
0x35: {  	v1 =	vand.u32 $0x380, v1;
	v0 =	vadd.s32 v0, v2  }
0x36: {  	v0 =	vor.u32 v1, v0  }
0x37: {  	v0 =	vshrl.u32 v0, $0x3  }
0x38: {  	s14 =	smul.u32 $0x14000, s14;
	_ =	sdelay $0x1  }
0x39: {  	s14 =	sshrl.u32 s14, $0x2  }
0x3a: {  	s14 =	sor.u32 $0x140, s14  }
0x3b: {  	[tilespmem:s14], [sflag:$0x1] =	stream.indirect_vreg.gather [hbm:s4], $0x80, v0, vm0, $0x38;
	[tilespmem:$0xA140] =	vst v63  }
0x3c: {  	s17 =	sadd.s32 $0x10, s16;
	s15 =	sadd.s32 $0x400, s14  }
0x3d: {  	[tilespmem:s15], [sflag:$0x1] =	stream.indirect_vreg.gather [hbm:s4], $0x80, v0, vm1, $0x38;
	[tilespmem:$0xA140] =	vst v63  }
0x3e: {  	s18 =	simm.s32 $0x80;
	v0 =	vld.msk [tilespmem:s17+$0x0 ss:$0x1], $0xffff;
	s17 =	smov.u32 s14  }
.LBB2_3:
0x3f: {  	p1 =	sne.s32 s18, $0x240;
	_ =	sdelay $0x4  }
0x40: {  	v1 =	vand.u32 $0x7, v0;
	v2 =	vshll.u32 v0, $0x4  }
0x41: {  	vm2 =	veq.s32 v0, $0x80000000;
	v0 =	vmul.u32 $0x177000, v1;
	v1 =	vand.u32 $0x1FFF80, v2  }
0x42: {  	v1 =	vsel vm2, $0xFFFFFF80, v1  }
0x43: {  	v0 =	vsel vm2, $0xFFE89000, v0;
	v2 =	vand.u32 $0xFFFFFC00, v1  }
0x44: {  	v1 =	vand.u32 $0x380, v1;
	v0 =	vadd.s32 v0, v2  }
0x45: {  	v0 =	vor.u32 v1, v0  }
0x46: {  	v0 =	vshrl.u32 v0, $0x3;
	_ =	sdelay $0x3  }
.Ltmp3:
0x47: {  	s19 =	sshra.s32 s18, $0x2;
	s17 =	sadd.s32 $0x800, s17;
	(pc) =	sbr.rel @p1 .LBB2_3-.Ltmp3, $4  }
0x48: {  	[tilespmem:s17], [sflag:$0x1] =	stream.indirect_vreg.gather [hbm:s4], $0x80, v0, vm0, $0x38;
	[tilespmem:$0xA140] =	vst v63  }
0x49: {  	s19 =	sadd.s32 s19, s16;
	s20 =	sadd.s32 $0x400, s17  }
0x4a: {  	[tilespmem:s20], [sflag:$0x1] =	stream.indirect_vreg.gather [hbm:s4], $0x80, v0, vm1, $0x38;
	[tilespmem:$0xA140] =	vst v63  }
0x4b: {  	s18 =	sadd.s32 $0x40, s18;
	v0 =	vld.msk [tilespmem:s19+$0x0 ss:$0x1], $0xffff  }
0x4c: {  	_ =	sdelay $0x3  }
0x4d: {  	v1 =	vand.u32 $0x7, v0;
	v2 =	vshll.u32 v0, $0x4  }
0x4e: {  	vm2 =	veq.s32 v0, $0x80000000;
	v61 =	vmul.u32 $0x177000, v1;
	v62 =	vand.u32 $0x1FFF80, v2  }
0x4f: {  	v1 =	vsel vm2, $0xFFFFFF80, v62  }
0x50: {  	v0 =	vsel vm2, $0xFFE89000, v61;
	v63 =	vand.u32 $0xFFFFFC00, v1  }
0x51: {  	v1 =	vand.u32 $0x380, v1;
	v0 =	vadd.s32 v0, v63  }
0x52: {  	v0 =	vor.u32 v1, v0  }
0x53: {  	v0 =	vshrl.u32 v0, $0x3;
	_ =	sdelay $0x3  }
0x54: {  	s16 =	sadd.s32 $0x800, s17  }
0x55: {  	[tilespmem:s16], [sflag:$0x1] =	stream.indirect_vreg.gather [hbm:s4], $0x80, v0, vm0, $0x38;
	[tilespmem:$0xA140] =	vst v63  }
0x56: {  	s16 =	sadd.s32 $0x400, s16  }
0x57: {  	[tilespmem:s16], [sflag:$0x1] =	stream.indirect_vreg.gather [hbm:s4], $0x80, v0, vm1, $0x38;
	[tilespmem:$0xA140] =	vst v63  }
0x58: {  	s13 =	sshll.u32 s13, $0x4;
	_ =	swait.ge [sflag:s6], $0x5000  }
0x59: {  	s13 =	sadd.s32 s13, s9;
	[sflag:s6] =	ssyncset.done $0x0  }
0x5a: {  	s17 =	sadd.s32 $0x0, s13;
	s16 =	simm.s32 $0x80;
	[sflag:s6] =	ssyncadd.s32 $0xFFFFB000  }
.LBB2_5:
0x5b: {  	[hbm:s17] =	stream.linear.scatter [tilespmem:s14], [sflag:$0x3], $0x400, $0x38;
	[tilespmem:$0xA140] =	vst v63  }
0x5c: {  	s17 =	smov.u32 s16;
	s14 =	smov.u32 s15;
	p1 =	sne.s32 s16, $0x980  }
.Ltmp4:
0x5d: {  	s16 =	sadd.s32 $0x80, s16;
	(pc) =	sbr.rel @p1 .LBB2_5-.Ltmp4, $2  }
0x5e: {  	_ =	sdelay $0x2  }
0x5f: {  	s15 =	sadd.s32 $0x400, s15;
	s17 =	sadd.s32 s17, s13  }
.Ltmp5:
0x60: {  	_ = 	snop;
	(pc) =	sbr.rel .LBB2_6-.Ltmp5, $1  }
0x61: {  	_ =	sdelay $0x3  }
.LBB2_8:
0x62: {  	_ =	sfence.sel $0x180000  }
0x63: {  	s2 =	simm.s32 $0x2;
	[bflag:$0x0] =	sbarrier.arrive $0xFFFF  }
0x64: {  	s30 =	simm.s32 $0x3;
	[sflag:s2] =	ssyncpa.u1 $0x1  }
0x65: {  	s31 =	simm.s32 $0x1;
	[sflag:s30] =	ssyncpa.u1 $0x1  }
0x66: {  	[sflag:s31] =	ssyncpa.u1 $0x1  }
0x67: {  	p0 =	sne.s32 s0, $0x0;
	_ =	strace $0x90000050  }
0x68: {  	s0 =	sadd.s32 @!p0 $0x100000, s1;
	[bflag:$0x2] =	sbarrier.arrive $0xFFFF  }
0x69: {  	[sflag:s0] =	ssyncadd.tile.s32 @!p0 $0x1;
	_ =	shalt  }
.Lfunc_end2:
_tile_overlayer_lowered:
.L_overlay_start_2:
0x6a: {  	(tag) =	ssettag $0x2  }
0x6b: {  	s0 =	rddreg [dreg:$0x0];
	s2 =	stileid.u32  }
0x6c: {  	s1 =	rddreg [dreg:$0x1];
	p0 =	sne.s32 s2, $0x0  }
0x6d: {  	s3 =	rddreg [dreg:$0x2];
	[bflag:$0x3] =	sbarrier.arrive $0xFFFF;
	s2 =	simm.s32 @!p0 $0x1C01  }
0x6e: {  	[timem:s3], [sflag:s2] =	dma.local @!p0 [hbm:s0], s1  }
0x6f: {  	s0 =	simm.s32 @!p0 $0x1  }
0x70: {  	_ =	swait.ge @!p0 [sflag:s0], s1  }
0x71: {  	s1 =	ssub.s32 @!p0 $0x0, s1;
	[sflag:s0] =	ssyncset.done @!p0 $0x0  }
0x72: {  	[sflag:s0] =	ssyncadd.s32 @!p0 s1  }
0x73: {  	[bflag:$0x3] =	sbarrier.arrive $0xFFFF  }
0x74: {  	_ =	shalt  }

// kernel: gather_offload_async_start.4
scs
__scs_entry_jumppad:
0x0: {  	(pc) =	sbr.rel $0x88, $3  }
0x1: {  	(tag) =	ssettag $0x0;
	lr =	simm.s32 $0x1  }
0x2: {  	[smem:$0x3F9B] =	sst lr;
	_ =	strace $0xD0000000  }
0x3: {  	_ = 	snop  }
0x4: {  	_ = 	snop  }
0x5: {  	_ = 	snop  }
0x6: {  	_ = 	snop  }
0x7: {  	_ = 	snop  }
__scs_overlays_trampoline_lowered:
0x8: {  	[smem:$0x3FAA] =	sst s0  }
0x9: {  	[smem:$0x3FAB] =	sst s1  }
0xa: {  	[smem:$0x3FAC] =	sst s2  }
0xb: {  	[smem:$0x3FAD] =	sst s3  }
0xc: {  	[smem:$0x3FAE] =	sst s4  }
0xd: {  	[smem:$0x3FAF] =	sst s5  }
0xe: {  	[smem:$0x3FB0] =	sst s6  }
0xf: {  	[smem:$0x3FB1] =	sst s7  }
0x10: {  	[smem:$0x3FB2] =	sst s8  }
0x11: {  	[smem:$0x3FB3] =	sst s9;
	s0 =	simm.s32 @!p0 $0x0  }
0x12: {  	s1 =	sld [smem:$0x3F99];
	s0 =	simm.s32 @p0 $0x1  }
0x13: {  	[smem:$0x3FB4] =	sst s0;
	s0 =	simm.s32 @!p1 $0x0  }
0x14: {  	s2 =	sld [smem:$0x3F98];
	s0 =	simm.s32 @p1 $0x1  }
0x15: {  	[smem:$0x3FB5] =	sst s0;
	s0 =	simm.s32 @!p2 $0x0  }
0x16: {  	s3 =	sld [smem:$0x3FDB];
	s0 =	simm.s32 @p2 $0x1  }
0x17: {  	s4 =	simm.s32 $0x1BF5;
	[smem:$0x3FB7] =	sst s0  }
0x18: {  	s0 =	sld [smem:$0x3F9A];
	_ =	swait.ge [sflag:s4], $0x0  }
0x19: {  	s7 =	sld [smem:$0x3F9B]  }
0x1a: {  	s8 =	sadd.s32 $0xFFFFE003, lr  }
0x1b: {  	s9 =	sadd.s32 $0xFFFFFEF7, lr;
	s5 =	simm.s32 $0xFFFFFFFF;
	p2 =	slt.u32 s8, $0xFFFFF086  }
0x1c: {  	p1 =	slt.u32 s9, $0xF7A;
	s5 =	simm.s32 @!p2 $0x0  }
0x1d: {  	s5 =	simm.s32 @p1 $0x1;
	p0 =	seq.s32 s7, s2  }
0x1e: {  	s7 =	smul.u32 @!p0 $0xF7A, s2;
	p2 =	seq.s32 @!p0 s5, $0x0  }
0x1f: {  	s9 =	smul.u32 $0xF7A, s1;
	s8 =	simm.s32 @!p0 $0x1BF5;
	p2 =	por !p2, p0  }
0x20: {  	[sflag:s8] =	ssyncset.s32 @!p0 $0xFFFFF086;
	s6 =	sadd.s32 @!p0 s3, s7;
	s7 =	simm.s32 @!p0 $0x108  }
0x21: {  	s3 =	sadd.s32 s3, s9;
	s6 =	sadd.s32 @!p0 $0x88, s6;
	s7 =	simm.s32 @p2 $0x1082  }
0x22: {  	[simem:s7], [sflag:s8] =	dma.local @!p0 [hbm:s6], $0xF7A  }
0x23: {  	s9 =	sor.u32 $0xD0000000, s2;
	s6 =	simm.s32 $0x108;
	_ =	swait.ge @!p0 [sflag:s8], $0x0  }
0x24: {  	s3 =	sadd.s32 $0x88, s3;
	s6 =	simm.s32 @!p1 $0x1082;
	[sflag:s4] =	ssyncset.s32 $0xFFFFF086  }
0x25: {  	[simem:s6], [sflag:s4] =	dma.local [hbm:s3], $0xF7A  }
0x26: {  	[smem:$0x3F9B] =	sst s1;
	(tag) =	ssettag s2;
	_ =	strace s9  }
0x27: {  	s1 =	sld [smem:$0x3FAB]  }
0x28: {  	s2 =	sld [smem:$0x3FAC]  }
0x29: {  	s4 =	sld [smem:$0x3FAE]  }
0x2a: {  	p0 =	seq.s32 s5, $0x0;
	s5 =	sld [smem:$0x3FAF]  }
0x2b: {  	s6 =	sld [smem:$0x3FB0]  }
0x2c: {  	s7 =	sld [smem:$0x3FB1]  }
0x2d: {  	s3 =	simm.s32 $0x108;
	s8 =	sld [smem:$0x3FB2]  }
0x2e: {  	s3 =	simm.s32 @!p0 $0x1082;
	s9 =	sld [smem:$0x3FB3]  }
0x2f: {  	lr =	sadd.s32 s0, s3;
	s0 =	sld [smem:$0x3FAA]  }
0x30: {  	s3 =	sld [smem:$0x3FAD]  }
0x31: {  	[smem:$0x3FB6] =	sst s10  }
0x32: {  	s10 =	sld [smem:$0x3FB4];
	_ =	sdelay $0x3  }
0x33: {  	p0 =	seq.s32 s10, $0x1;
	s10 =	sld [smem:$0x3FB6];
	_ =	sdelay $0x3  }
0x34: {  	[smem:$0x3FB6] =	sst s10  }
0x35: {  	s10 =	sld [smem:$0x3FB5];
	_ =	sdelay $0x3  }
0x36: {  	p1 =	seq.s32 s10, $0x1;
	s10 =	sld [smem:$0x3FB6];
	_ =	sdelay $0x3  }
0x37: {  	[smem:$0x3FB6] =	sst s10  }
0x38: {  	s10 =	sld [smem:$0x3FB7]  }
0x39: {  	_ = 	snop;
	(pc) =	sbr.ind lr, $3  }
0x3a: {  	_ = 	snop  }
0x3b: {  	_ = 	snop  }
0x3c: {  	p2 =	seq.s32 s10, $0x1;
	s10 =	sld [smem:$0x3FB6]  }
0x3d: {  	_ =	shalt  }
0x3e: {  	_ =	shalt  }
0x3f: {  	_ =	shalt  }
0x40: {  	_ =	shalt  }
0x41: {  	_ =	shalt  }
0x42: {  	_ =	shalt  }
0x43: {  	_ =	shalt  }
0x44: {  	_ =	shalt  }
0x45: {  	_ =	shalt  }
0x46: {  	_ =	shalt  }
0x47: {  	_ =	shalt  }
0x48: {  	_ =	shalt  }
0x49: {  	_ =	shalt  }
0x4a: {  	_ =	shalt  }
0x4b: {  	_ =	shalt  }
0x4c: {  	_ =	shalt  }
0x4d: {  	_ =	shalt  }
0x4e: {  	_ =	shalt  }
0x4f: {  	_ =	shalt  }
0x50: {  	_ =	shalt  }
0x51: {  	_ =	shalt  }
0x52: {  	_ =	shalt  }
0x53: {  	_ =	shalt  }
0x54: {  	_ =	shalt  }
0x55: {  	_ =	shalt  }
0x56: {  	_ =	shalt  }
0x57: {  	_ =	shalt  }
0x58: {  	_ =	shalt  }
0x59: {  	_ =	shalt  }
0x5a: {  	_ =	shalt  }
0x5b: {  	_ =	shalt  }
0x5c: {  	_ =	shalt  }
0x5d: {  	_ =	shalt  }
0x5e: {  	_ =	shalt  }
0x5f: {  	_ =	shalt  }
0x60: {  	_ =	shalt  }
0x61: {  	_ =	shalt  }
0x62: {  	_ =	shalt  }
0x63: {  	_ =	shalt  }
0x64: {  	_ =	shalt  }
0x65: {  	_ =	shalt  }
0x66: {  	_ =	shalt  }
0x67: {  	_ =	shalt  }
0x68: {  	_ =	shalt  }
0x69: {  	_ =	shalt  }
0x6a: {  	_ =	shalt  }
0x6b: {  	_ =	shalt  }
0x6c: {  	_ =	shalt  }
0x6d: {  	_ =	shalt  }
0x6e: {  	_ =	shalt  }
0x6f: {  	_ =	shalt  }
0x70: {  	_ =	shalt  }
0x71: {  	_ =	shalt  }
0x72: {  	_ =	shalt  }
0x73: {  	_ =	shalt  }
0x74: {  	_ =	shalt  }
0x75: {  	_ =	shalt  }
0x76: {  	_ =	shalt  }
0x77: {  	_ =	shalt  }
0x78: {  	_ =	shalt  }
0x79: {  	_ =	shalt  }
0x7a: {  	_ =	shalt  }
0x7b: {  	_ =	shalt  }
0x7c: {  	_ =	shalt  }
0x7d: {  	_ =	shalt  }
0x7e: {  	_ =	shalt  }
0x7f: {  	_ =	shalt  }
0x80: {  	_ =	shalt  }
0x81: {  	_ =	shalt  }
0x82: {  	_ =	shalt  }
0x83: {  	_ =	shalt  }
0x84: {  	_ =	shalt  }
0x85: {  	_ =	shalt  }
0x86: {  	_ =	shalt  }
0x87: {  	_ =	shalt  }
.Lfunc_end0:
.L_simem_size_0:
called_computation.4_lowered:
.L_overlay_start_0:
0x88: {  	s2 =	sld [smem:$0x3FD9]  }
0x89: {  	s3 =	sld [smem:$0x3FFE];
	_ =	sdelay $0x1  }
0x8a: {  	s1 =	srdreg.scid  }
0x8b: {  	s0 =	sand.u32 $0x1, s1  }
0x8c: {  	s17 =	sshll.u32 s0, $0xA;
	s2 =	sadd.s32 s3, s2  }
0x8d: {  	s2 =	sadd.s32 s2, s17  }
0x8e: {  	[smem:$0x3FC2] =	sst s2  }
0x8f: {  	_ = 	snop  }
0x90: {  	(tm) =	ssettm $0x1  }
0x91: {  	s18 =	sld [smem:$0x3FFB];
	_ =	sdelay $0x3  }
0x92: {  	_ =	strace s18  }
0x93: {  	s2 =	sld [smem:$0x3FFC];
	_ =	sdelay $0x3  }
0x94: {  	_ =	strace s2  }
0x95: {  	s2 =	sld [smem:$0x3FFD];
	_ =	sdelay $0x3  }
0x96: {  	_ =	strace s2  }
0x97: {  	_ =	strace $0x8FFFFFFF  }
0x98: {  	s19 =	sld [smem:$0x3FDB];
	_ =	sdelay $0x1  }
0x99: {  	s20 =	simm.s32 $_scs_section_size  }
0x9a: {  	s4 =	simm.s32 $_size__tile_overlayer_lowered;
	s5 =	simm.s32 $_tile_overlayer_lowered  }
0x9b: {  	s6 =	simm.s32 $0x1BFF;
	s21 =	sshll.u32 s5, $0x1;
	s3 =	sadd.s32 s20, s19  }
0x9c: {  	s22 =	simm.s32 $0x0;
	s4 =	sshll.u32 s4, $0x1;
	s5 =	sadd.s32 s21, s3  }
0x9d: {  	[timem:s22], [sflag:s6] =	dma.local [hbm:s5], s4  }
0x9e: {  	_ =	swait.ge [sflag:s6], s4  }
0x9f: {  	s4 =	ssub.s32 $0x0, s4;
	[sflag:s6] =	ssyncset.done $0x0  }
0xa0: {  	[sflag:s6] =	ssyncadd.s32 s4;
	_ =	sdelay $0x1  }
0xa1: {  	s23 =	simm.s32 $0x1B8B  }
0xa2: {  	_ =	swait.ge [sflag:s23], $0x1  }
0xa3: {  	[sflag:s23] =	ssyncset.done $0x0  }
0xa4: {  	[sflag:s23] =	ssyncadd.s32 $0xFFFFFFFF  }
0xa5: {  	s4 =	sld [smem:$0x0]  }
0xa6: {  	s5 =	sand.u32 $0xFFFFFFFE, s1  }
0xa7: {  	p0 =	sne.s32 s1, s5  }
0xa8: {  	s5 =	sshll.u32 @p0 s5, $0xE  }
0xa9: {  	s5 =	sadd.s32 @p0 $0x11B8D, s5;
	s6 =	sshll.u32 @p0 s4, $0x11  }
0xaa: {  	s5 =	sor.u32 @p0 s6, s5  }
0xab: {  	[sflag:s5] =	ssyncadd.remote.s32 @p0 $0x1;
	_ =	sdelay $0x1  }
0xac: {  	s5 =	simm.s32 @p0 $0x1B8D  }
0xad: {  	_ =	swait.eq @p0 [sflag:s5], $0x1  }
0xae: {  	[sflag:s5] =	ssyncadd.s32 @p0 $0xFFFFFFFF  }
0xaf: {  	s6 =	sshll.u32 @!p0 s1, $0xE  }
0xb0: {  	s6 =	sor.u32 @!p0 $0x4000, s6;
	s5 =	simm.s32 @!p0 $0x1B8D  }
0xb1: {  	s4 =	sshll.u32 @!p0 s4, $0x11;
	s6 =	sadd.s32 @!p0 $0x11B8D, s6;
	_ =	swait.eq @!p0 [sflag:s5], $0x1  }
0xb2: {  	s4 =	sor.u32 @!p0 s4, s6;
	[sflag:s5] =	ssyncadd.s32 @!p0 $0xFFFFFFFF  }
0xb3: {  	s25 =	simm.s32 $0x1B8E;
	s24 =	sld [smem:$0x3FFE];
	[sflag:s4] =	ssyncadd.remote.s32 @!p0 $0x1  }
0xb4: {  	s26 =	simm.s32 $execute0_lowered;
	[smem:$0x3FD2] =	sst s25  }
0xb5: {  	s5 =	sshll.u32 s26, $0x1;
	_ =	strace $0x8000005B;
	[dreg:$0x1] =	wrdreg $0xFFFFFFFF  }
0xb6: {  	s28 =	simm.s32 $_size_execute0_lowered;
	s3 =	sadd.s32 s3, s5;
	[dreg:$0x0] =	wrdreg $0x0  }
0xb7: {  	s5 =	sshll.u32 s28, $0x1;
	[dreg:$0x2] =	wrdreg s3  }
0xb8: {  	[dreg:$0x3] =	wrdreg s5  }
0xb9: {  	[dreg:$0x4] =	wrdreg $0xC0  }
0xba: {  	_ =	task [dreg:s22], $0x5FFFF  }
0xbb: {  	[dreg:$0x1] =	wrdreg $0xFFFFFFFF  }
0xbc: {  	[dreg:$0x0] =	wrdreg $0x60  }
0xbd: {  	[dreg:$0x2] =	wrdreg s24  }
0xbe: {  	[dreg:$0x3] =	wrdreg $0xA  }
0xbf: {  	_ =	task.clear_ibuf [dreg:s22], $0x4FFFF;
	_ =	strace $0x9000005B  }
0xc0: {  	s29 =	simm.s32 $0xA;
	_ =	strace $0x8000005D  }
0xc1: {  	_ =	swait.ge [sflag:s29], $0x1  }
0xc2: {  	[sflag:s29] =	ssyncadd.s32 $0xFFFFFFFF  }
0xc3: {  	_ =	strace $0x9000005D  }
0xc4: {  	_ =	sfence  }
0xc5: {  	s30 =	sld [smem:$0x0];
	_ =	sdelay $0x2  }
0xc6: {  	s31 =	sshll.u32 s1, $0xD;
	s1 =	sshrl.u32 s1, $0x2  }
0xc7: {  	s4 =	sand.u32 $0x4000, s31;
	s1 =	sadd.s32 s1, s30  }
0xc8: {  	s0 =	sor.u32 s4, s0;
	s1 =	sshll.u32 s1, $0x11  }
0xc9: {  	s0 =	sor.u32 s1, s0  }
0xca: {  	s0 =	sadd.s32 $0x8F2B, s0  }
0xcb: {  	[sflag:s0] =	ssyncadd.remote.s32 $0x1  }
0xcc: {  	_ =	sfence.sel $0xFFFF  }
0xcd: {  	[dreg:$0x0] =	wrdreg $0xFFFFFFFF;
	(pc) =	sbr.abs _section_cstart, $3  }
0xce: {  	[dreg:$0x1] =	wrdreg $0xFFFFFFFF  }
0xcf: {  	_ =	task.clear_ibuf [dreg:s22], $0x2FFFF;
	_ =	strace $0x9FFFFFFF  }
0xd0: {  	(tm) =	ssettm $0x7FFFFFFF  }
0xd1: {  	_ =	shalt  }
tec
execute0_lowered:
.L_overlay_start_1:
0x0: {  	(tag) =	ssettag $0x1  }
0x1: {  	s0 =	srdreg.scid  }
0x2: {  	s1 =	sshll.u32 s0, $0x4  }
0x3: {  	s0 =	stileid.u32;
	s1 =	sand.u32 $0x10, s1  }
0x4: {  	s1 =	sor.u32 s0, s1  }
0x5: {  	s2 =	smin.u32 s1, $0x12  }
0x6: {  	s2 =	sadd.s32 s1, s2  }
0x7: {  	p0 =	slt.u32 s1, $0x12;
	s1 =	simm.s32 $0x140;
	s2 =	smul.u32 $0xA0, s2  }
0x8: {  	s1 =	simm.s32 @!p0 $0xA0  }
0x9: {  	s1 =	sadd.s32 s1, s2  }
0xa: {  	s3 =	smin.u32 s1, $0x1F40  }
0xb: {  	s7 =	ssub.s32 s3, s2  }
0xc: {  	p0 =	sgt.s32 s7, $0x0  }
0xd: {  	s7 =	simm.s32 @!p0 $0x0  }
0xe: {  	s4 =	smul.u32 $0xCCCD, s7  }
0xf: {  	s9 =	rddreg [dreg:$0x0];
	s6 =	simm.s32 $0x1;
	s11 =	simm.s32 $0x3  }
0x10: {  	s13 =	simm.s32 $0x0;
	s12 =	simm.s32 $0x0;
	s8 =	sshrl.u32 s4, $0x17  }
0x11: {  	s1 =	rddreg [dreg:$0x1];
	_ =	strace $0x8000005C;
	s10 =	smul.u32 $0xA0, s8  }
.Ltmp0:
0x12: {  	s5 =	sadd.s32 $0x290800, s9;
	[sflag:s6] =	ssyncpa.u1 $0x0;
	(pc) =	sbr.rel .LBB2_1-.Ltmp0, $4  }
0x13: {  	s4 =	sadd.s32 $0x271400, s9;
	p0 =	sne.s32 s7, s10;
	s10 =	simm.s32 $0x1  }
0x14: {  	s9 =	sadd.s32 $0x1F800, s9;
	s7 =	simm.s32 $0x2;
	s10 =	simm.s32 @!p0 $0x0  }
0x15: {  	[sflag:s7] =	ssyncpa.u1 $0x0;
	p0 =	por $0x0, $0x0;
	s8 =	sadd.s32 s8, s10  }
0x16: {  	vm0 =	vmmov $0xff;
	vm1 =	vcmask $0x3F20;
	[sflag:s11] =	ssyncpa.u1 $0x0;
	s11 =	smov.u32 s2;
	s10 =	sadd.s32 $0x1, s8  }
.LBB2_6:
0x17: {  	[hbm:s17] =	stream.linear.scatter [tilespmem:s14], [sflag:$0x3], $0x400, $0x38;
	[tilespmem:$0xA140] =	vst v63  }
.LBB2_7:
0x18: {  	s13 =	sadd.s32 $0xA0, s11  }
0x19: {  	s15 =	smov.u32 s2;
	p2 =	slt.s32 s13, s3  }
0x1a: {  	s15 =	smov.u32 @p2 s13;
	p2 =	sne.s32 s12, s10  }
.Ltmp1:
0x1b: {  	p1 =	slt.u32 s12, $0x2;
	(pc) =	sbr.rel @!p2 .LBB2_8-.Ltmp1, $4  }
0x1c: {  	s14 =	simm.s32 @!p1 $0x3  }
0x1d: {  	s16 =	sadd.s32 $0x1, s12;
	_ =	swait.ge @!p1 [sflag:s14], $0x5000  }
0x1e: {  	p0 =	por !p0, !p0;
	s13 =	smov.u32 s11;
	[sflag:s14] =	ssyncset.done @!p1 $0x0  }
0x1f: {  	s12 =	smov.u32 s16;
	s11 =	smov.u32 s15;
	[sflag:s14] =	ssyncadd.s32 @!p1 $0xFFFFB000  }
.LBB2_1:
0x20: {  	p1 =	sge.u32 s12, s8  }
0x21: {  	s14 =	sxor.u32 @!p1 $0xFFFFFFFF, s12  }
0x22: {  	s14 =	sand.u32 @!p1 $0x1, s14  }
0x23: {  	s14 =	smul.u32 @!p1 $0x280, s14  }
0x24: {  	s31 =	sadd.s32 $0xFFFFFFFF, s12;
	s15 =	sshrl.u32 @!p1 s11, $0x3  }
0x25: {  	s16 =	sand.u32 @!p1 $0x7, s11;
	s15 =	sadd.s32 @!p1 s5, s15;
	s14 =	sshrl.u32 @!p1 s14, $0x2  }
0x26: {  	[tilespmem:s14], [sflag:$0x2] =	stream.linear.gather @!p1 [hbm4b:s15+s16], $0xA0, $0x38;
	[tilespmem:$0xA140] =	vst v63  }
0x27: {  	p1 =	sge.u32 s31, s8  }
.Ltmp2:
0x28: {  	_ = 	snop;
	(pc) =	sbr.rel @p1 .LBB2_7-.Ltmp2, $1  }
0x29: {  	_ =	sdelay $0x3  }
0x2a: {  	s14 =	simm.s32 $0x1  }
0x2b: {  	s14 =	simm.s32 @!p0 $0x0  }
0x2c: {  	s15 =	smul.u32 $0x280, s14  }
0x2d: {  	_ =	swait.ge [sflag:s7], $0xA0  }
0x2e: {  	[sflag:s7] =	ssyncset.done $0x0;
	s16 =	sshrl.u32 s15, $0x2  }
0x2f: {  	[sflag:s7] =	ssyncadd.s32 $0xFFFFFF60;
	s15 =	sadd.s32 $0x0, s16  }
0x30: {  	v0 =	vld.msk [tilespmem:s15+$0x0 ss:$0x1], $0xffff;
	_ =	sdelay $0x4  }
0x31: {  	v1 =	vand.u32 $0x7, v0;
	v2 =	vshll.u32 v0, $0x4  }
0x32: {  	vm2 =	veq.s32 v0, $0x80000000;
	v0 =	vmul.u32 $0x1F400, v1;
	v1 =	vand.u32 $0x1FF80, v2  }
0x33: {  	v1 =	vsel vm2, $0xFFFFFF80, v1  }
0x34: {  	v0 =	vsel vm2, $0xFFFE0C00, v0;
	v2 =	vand.u32 $0xFFFFFC00, v1  }
0x35: {  	v1 =	vand.u32 $0x380, v1;
	v0 =	vadd.s32 v0, v2  }
0x36: {  	v0 =	vor.u32 v1, v0  }
0x37: {  	v0 =	vshrl.u32 v0, $0x3  }
0x38: {  	s14 =	smul.u32 $0x14000, s14;
	_ =	sdelay $0x1  }
0x39: {  	s14 =	sshrl.u32 s14, $0x2  }
0x3a: {  	s14 =	sor.u32 $0x140, s14  }
0x3b: {  	[tilespmem:s14], [sflag:$0x1] =	stream.indirect_vreg.gather [hbm:s4], $0x80, v0, vm0, $0x38;
	[tilespmem:$0xA140] =	vst v63  }
0x3c: {  	s17 =	sadd.s32 $0x10, s16;
	s15 =	sadd.s32 $0x400, s14  }
0x3d: {  	[tilespmem:s15], [sflag:$0x1] =	stream.indirect_vreg.gather [hbm:s4], $0x80, v0, vm1, $0x38;
	[tilespmem:$0xA140] =	vst v63  }
0x3e: {  	s18 =	simm.s32 $0x80;
	v0 =	vld.msk [tilespmem:s17+$0x0 ss:$0x1], $0xffff;
	s17 =	smov.u32 s14  }
.LBB2_3:
0x3f: {  	p1 =	sne.s32 s18, $0x240;
	_ =	sdelay $0x4  }
0x40: {  	v1 =	vand.u32 $0x7, v0;
	v2 =	vshll.u32 v0, $0x4  }
0x41: {  	vm2 =	veq.s32 v0, $0x80000000;
	v0 =	vmul.u32 $0x1F400, v1;
	v1 =	vand.u32 $0x1FF80, v2  }
0x42: {  	v1 =	vsel vm2, $0xFFFFFF80, v1  }
0x43: {  	v0 =	vsel vm2, $0xFFFE0C00, v0;
	v2 =	vand.u32 $0xFFFFFC00, v1  }
0x44: {  	v1 =	vand.u32 $0x380, v1;
	v0 =	vadd.s32 v0, v2  }
0x45: {  	v0 =	vor.u32 v1, v0  }
0x46: {  	v0 =	vshrl.u32 v0, $0x3;
	_ =	sdelay $0x3  }
.Ltmp3:
0x47: {  	s19 =	sshra.s32 s18, $0x2;
	s17 =	sadd.s32 $0x800, s17;
	(pc) =	sbr.rel @p1 .LBB2_3-.Ltmp3, $4  }
0x48: {  	[tilespmem:s17], [sflag:$0x1] =	stream.indirect_vreg.gather [hbm:s4], $0x80, v0, vm0, $0x38;
	[tilespmem:$0xA140] =	vst v63  }
0x49: {  	s19 =	sadd.s32 s19, s16;
	s20 =	sadd.s32 $0x400, s17  }
0x4a: {  	[tilespmem:s20], [sflag:$0x1] =	stream.indirect_vreg.gather [hbm:s4], $0x80, v0, vm1, $0x38;
	[tilespmem:$0xA140] =	vst v63  }
0x4b: {  	s18 =	sadd.s32 $0x40, s18;
	v0 =	vld.msk [tilespmem:s19+$0x0 ss:$0x1], $0xffff  }
0x4c: {  	_ =	sdelay $0x3  }
0x4d: {  	v1 =	vand.u32 $0x7, v0;
	v2 =	vshll.u32 v0, $0x4  }
0x4e: {  	vm2 =	veq.s32 v0, $0x80000000;
	v61 =	vmul.u32 $0x1F400, v1;
	v62 =	vand.u32 $0x1FF80, v2  }
0x4f: {  	v1 =	vsel vm2, $0xFFFFFF80, v62  }
0x50: {  	v0 =	vsel vm2, $0xFFFE0C00, v61;
	v63 =	vand.u32 $0xFFFFFC00, v1  }
0x51: {  	v1 =	vand.u32 $0x380, v1;
	v0 =	vadd.s32 v0, v63  }
0x52: {  	v0 =	vor.u32 v1, v0  }
0x53: {  	v0 =	vshrl.u32 v0, $0x3;
	_ =	sdelay $0x3  }
0x54: {  	s16 =	sadd.s32 $0x800, s17  }
0x55: {  	[tilespmem:s16], [sflag:$0x1] =	stream.indirect_vreg.gather [hbm:s4], $0x80, v0, vm0, $0x38;
	[tilespmem:$0xA140] =	vst v63  }
0x56: {  	s16 =	sadd.s32 $0x400, s16  }
0x57: {  	[tilespmem:s16], [sflag:$0x1] =	stream.indirect_vreg.gather [hbm:s4], $0x80, v0, vm1, $0x38;
	[tilespmem:$0xA140] =	vst v63  }
0x58: {  	s13 =	sshll.u32 s13, $0x4;
	_ =	swait.ge [sflag:s6], $0x5000  }
0x59: {  	s13 =	sadd.s32 s13, s9;
	[sflag:s6] =	ssyncset.done $0x0  }
0x5a: {  	s17 =	sadd.s32 $0x0, s13;
	s16 =	simm.s32 $0x80;
	[sflag:s6] =	ssyncadd.s32 $0xFFFFB000  }
.LBB2_5:
0x5b: {  	[hbm:s17] =	stream.linear.scatter [tilespmem:s14], [sflag:$0x3], $0x400, $0x38;
	[tilespmem:$0xA140] =	vst v63  }
0x5c: {  	s17 =	smov.u32 s16;
	s14 =	smov.u32 s15;
	p1 =	sne.s32 s16, $0x980  }
.Ltmp4:
0x5d: {  	s16 =	sadd.s32 $0x80, s16;
	(pc) =	sbr.rel @p1 .LBB2_5-.Ltmp4, $2  }
0x5e: {  	_ =	sdelay $0x2  }
0x5f: {  	s15 =	sadd.s32 $0x400, s15;
	s17 =	sadd.s32 s17, s13  }
.Ltmp5:
0x60: {  	_ = 	snop;
	(pc) =	sbr.rel .LBB2_6-.Ltmp5, $1  }
0x61: {  	_ =	sdelay $0x3  }
.LBB2_8:
0x62: {  	_ =	sfence.sel $0x180000  }
0x63: {  	s2 =	simm.s32 $0x2;
	[bflag:$0x0] =	sbarrier.arrive $0xFFFF  }
0x64: {  	s30 =	simm.s32 $0x3;
	[sflag:s2] =	ssyncpa.u1 $0x1  }
0x65: {  	s31 =	simm.s32 $0x1;
	[sflag:s30] =	ssyncpa.u1 $0x1  }
0x66: {  	[sflag:s31] =	ssyncpa.u1 $0x1  }
0x67: {  	p0 =	sne.s32 s0, $0x0;
	_ =	strace $0x9000005C  }
0x68: {  	s0 =	sadd.s32 @!p0 $0x100000, s1;
	[bflag:$0x2] =	sbarrier.arrive $0xFFFF  }
0x69: {  	[sflag:s0] =	ssyncadd.tile.s32 @!p0 $0x1;
	_ =	shalt  }
.Lfunc_end2:
_tile_overlayer_lowered:
.L_overlay_start_2:
0x6a: {  	(tag) =	ssettag $0x2  }
0x6b: {  	s0 =	rddreg [dreg:$0x0];
	s2 =	stileid.u32  }
0x6c: {  	s1 =	rddreg [dreg:$0x1];
	p0 =	sne.s32 s2, $0x0  }
0x6d: {  	s3 =	rddreg [dreg:$0x2];
	[bflag:$0x3] =	sbarrier.arrive $0xFFFF;
	s2 =	simm.s32 @!p0 $0x1C01  }
0x6e: {  	[timem:s3], [sflag:s2] =	dma.local @!p0 [hbm:s0], s1  }
0x6f: {  	s0 =	simm.s32 @!p0 $0x1  }
0x70: {  	_ =	swait.ge @!p0 [sflag:s0], s1  }
0x71: {  	s1 =	ssub.s32 @!p0 $0x0, s1;
	[sflag:s0] =	ssyncset.done @!p0 $0x0  }
0x72: {  	[sflag:s0] =	ssyncadd.s32 @!p0 s1  }
0x73: {  	[bflag:$0x3] =	sbarrier.arrive $0xFFFF  }
0x74: {  	_ =	shalt  }

// kernel: gather_offload_async_start.5
scs
__scs_entry_jumppad:
0x0: {  	(pc) =	sbr.rel $0x88, $3  }
0x1: {  	(tag) =	ssettag $0x0;
	lr =	simm.s32 $0x1  }
0x2: {  	[smem:$0x3F9B] =	sst lr;
	_ =	strace $0xD0000000  }
0x3: {  	_ = 	snop  }
0x4: {  	_ = 	snop  }
0x5: {  	_ = 	snop  }
0x6: {  	_ = 	snop  }
0x7: {  	_ = 	snop  }
__scs_overlays_trampoline_lowered:
0x8: {  	[smem:$0x3FAA] =	sst s0  }
0x9: {  	[smem:$0x3FAB] =	sst s1  }
0xa: {  	[smem:$0x3FAC] =	sst s2  }
0xb: {  	[smem:$0x3FAD] =	sst s3  }
0xc: {  	[smem:$0x3FAE] =	sst s4  }
0xd: {  	[smem:$0x3FAF] =	sst s5  }
0xe: {  	[smem:$0x3FB0] =	sst s6  }
0xf: {  	[smem:$0x3FB1] =	sst s7  }
0x10: {  	[smem:$0x3FB2] =	sst s8  }
0x11: {  	[smem:$0x3FB3] =	sst s9;
	s0 =	simm.s32 @!p0 $0x0  }
0x12: {  	s1 =	sld [smem:$0x3F99];
	s0 =	simm.s32 @p0 $0x1  }
0x13: {  	[smem:$0x3FB4] =	sst s0;
	s0 =	simm.s32 @!p1 $0x0  }
0x14: {  	s2 =	sld [smem:$0x3F98];
	s0 =	simm.s32 @p1 $0x1  }
0x15: {  	[smem:$0x3FB5] =	sst s0;
	s0 =	simm.s32 @!p2 $0x0  }
0x16: {  	s3 =	sld [smem:$0x3FDB];
	s0 =	simm.s32 @p2 $0x1  }
0x17: {  	s4 =	simm.s32 $0x1BF5;
	[smem:$0x3FB7] =	sst s0  }
0x18: {  	s0 =	sld [smem:$0x3F9A];
	_ =	swait.ge [sflag:s4], $0x0  }
0x19: {  	s7 =	sld [smem:$0x3F9B]  }
0x1a: {  	s8 =	sadd.s32 $0xFFFFE003, lr  }
0x1b: {  	s9 =	sadd.s32 $0xFFFFFEF7, lr;
	s5 =	simm.s32 $0xFFFFFFFF;
	p2 =	slt.u32 s8, $0xFFFFF086  }
0x1c: {  	p1 =	slt.u32 s9, $0xF7A;
	s5 =	simm.s32 @!p2 $0x0  }
0x1d: {  	s5 =	simm.s32 @p1 $0x1;
	p0 =	seq.s32 s7, s2  }
0x1e: {  	s7 =	smul.u32 @!p0 $0xF7A, s2;
	p2 =	seq.s32 @!p0 s5, $0x0  }
0x1f: {  	s9 =	smul.u32 $0xF7A, s1;
	s8 =	simm.s32 @!p0 $0x1BF5;
	p2 =	por !p2, p0  }
0x20: {  	[sflag:s8] =	ssyncset.s32 @!p0 $0xFFFFF086;
	s6 =	sadd.s32 @!p0 s3, s7;
	s7 =	simm.s32 @!p0 $0x108  }
0x21: {  	s3 =	sadd.s32 s3, s9;
	s6 =	sadd.s32 @!p0 $0x88, s6;
	s7 =	simm.s32 @p2 $0x1082  }
0x22: {  	[simem:s7], [sflag:s8] =	dma.local @!p0 [hbm:s6], $0xF7A  }
0x23: {  	s9 =	sor.u32 $0xD0000000, s2;
	s6 =	simm.s32 $0x108;
	_ =	swait.ge @!p0 [sflag:s8], $0x0  }
0x24: {  	s3 =	sadd.s32 $0x88, s3;
	s6 =	simm.s32 @!p1 $0x1082;
	[sflag:s4] =	ssyncset.s32 $0xFFFFF086  }
0x25: {  	[simem:s6], [sflag:s4] =	dma.local [hbm:s3], $0xF7A  }
0x26: {  	[smem:$0x3F9B] =	sst s1;
	(tag) =	ssettag s2;
	_ =	strace s9  }
0x27: {  	s1 =	sld [smem:$0x3FAB]  }
0x28: {  	s2 =	sld [smem:$0x3FAC]  }
0x29: {  	s4 =	sld [smem:$0x3FAE]  }
0x2a: {  	p0 =	seq.s32 s5, $0x0;
	s5 =	sld [smem:$0x3FAF]  }
0x2b: {  	s6 =	sld [smem:$0x3FB0]  }
0x2c: {  	s7 =	sld [smem:$0x3FB1]  }
0x2d: {  	s3 =	simm.s32 $0x108;
	s8 =	sld [smem:$0x3FB2]  }
0x2e: {  	s3 =	simm.s32 @!p0 $0x1082;
	s9 =	sld [smem:$0x3FB3]  }
0x2f: {  	lr =	sadd.s32 s0, s3;
	s0 =	sld [smem:$0x3FAA]  }
0x30: {  	s3 =	sld [smem:$0x3FAD]  }
0x31: {  	[smem:$0x3FB6] =	sst s10  }
0x32: {  	s10 =	sld [smem:$0x3FB4];
	_ =	sdelay $0x3  }
0x33: {  	p0 =	seq.s32 s10, $0x1;
	s10 =	sld [smem:$0x3FB6];
	_ =	sdelay $0x3  }
0x34: {  	[smem:$0x3FB6] =	sst s10  }
0x35: {  	s10 =	sld [smem:$0x3FB5];
	_ =	sdelay $0x3  }
0x36: {  	p1 =	seq.s32 s10, $0x1;
	s10 =	sld [smem:$0x3FB6];
	_ =	sdelay $0x3  }
0x37: {  	[smem:$0x3FB6] =	sst s10  }
0x38: {  	s10 =	sld [smem:$0x3FB7]  }
0x39: {  	_ = 	snop;
	(pc) =	sbr.ind lr, $3  }
0x3a: {  	_ = 	snop  }
0x3b: {  	_ = 	snop  }
0x3c: {  	p2 =	seq.s32 s10, $0x1;
	s10 =	sld [smem:$0x3FB6]  }
0x3d: {  	_ =	shalt  }
0x3e: {  	_ =	shalt  }
0x3f: {  	_ =	shalt  }
0x40: {  	_ =	shalt  }
0x41: {  	_ =	shalt  }
0x42: {  	_ =	shalt  }
0x43: {  	_ =	shalt  }
0x44: {  	_ =	shalt  }
0x45: {  	_ =	shalt  }
0x46: {  	_ =	shalt  }
0x47: {  	_ =	shalt  }
0x48: {  	_ =	shalt  }
0x49: {  	_ =	shalt  }
0x4a: {  	_ =	shalt  }
0x4b: {  	_ =	shalt  }
0x4c: {  	_ =	shalt  }
0x4d: {  	_ =	shalt  }
0x4e: {  	_ =	shalt  }
0x4f: {  	_ =	shalt  }
0x50: {  	_ =	shalt  }
0x51: {  	_ =	shalt  }
0x52: {  	_ =	shalt  }
0x53: {  	_ =	shalt  }
0x54: {  	_ =	shalt  }
0x55: {  	_ =	shalt  }
0x56: {  	_ =	shalt  }
0x57: {  	_ =	shalt  }
0x58: {  	_ =	shalt  }
0x59: {  	_ =	shalt  }
0x5a: {  	_ =	shalt  }
0x5b: {  	_ =	shalt  }
0x5c: {  	_ =	shalt  }
0x5d: {  	_ =	shalt  }
0x5e: {  	_ =	shalt  }
0x5f: {  	_ =	shalt  }
0x60: {  	_ =	shalt  }
0x61: {  	_ =	shalt  }
0x62: {  	_ =	shalt  }
0x63: {  	_ =	shalt  }
0x64: {  	_ =	shalt  }
0x65: {  	_ =	shalt  }
0x66: {  	_ =	shalt  }
0x67: {  	_ =	shalt  }
0x68: {  	_ =	shalt  }
0x69: {  	_ =	shalt  }
0x6a: {  	_ =	shalt  }
0x6b: {  	_ =	shalt  }
0x6c: {  	_ =	shalt  }
0x6d: {  	_ =	shalt  }
0x6e: {  	_ =	shalt  }
0x6f: {  	_ =	shalt  }
0x70: {  	_ =	shalt  }
0x71: {  	_ =	shalt  }
0x72: {  	_ =	shalt  }
0x73: {  	_ =	shalt  }
0x74: {  	_ =	shalt  }
0x75: {  	_ =	shalt  }
0x76: {  	_ =	shalt  }
0x77: {  	_ =	shalt  }
0x78: {  	_ =	shalt  }
0x79: {  	_ =	shalt  }
0x7a: {  	_ =	shalt  }
0x7b: {  	_ =	shalt  }
0x7c: {  	_ =	shalt  }
0x7d: {  	_ =	shalt  }
0x7e: {  	_ =	shalt  }
0x7f: {  	_ =	shalt  }
0x80: {  	_ =	shalt  }
0x81: {  	_ =	shalt  }
0x82: {  	_ =	shalt  }
0x83: {  	_ =	shalt  }
0x84: {  	_ =	shalt  }
0x85: {  	_ =	shalt  }
0x86: {  	_ =	shalt  }
0x87: {  	_ =	shalt  }
.Lfunc_end0:
.L_simem_size_0:
called_computation.5_lowered:
.L_overlay_start_0:
0x88: {  	s2 =	sld [smem:$0x3FD9]  }
0x89: {  	s3 =	sld [smem:$0x3FFE];
	_ =	sdelay $0x1  }
0x8a: {  	s1 =	srdreg.scid  }
0x8b: {  	s0 =	sand.u32 $0x1, s1  }
0x8c: {  	s16 =	sshll.u32 s0, $0xA;
	s2 =	sadd.s32 s3, s2  }
0x8d: {  	s2 =	sadd.s32 s2, s16  }
0x8e: {  	[smem:$0x3FC2] =	sst s2  }
0x8f: {  	_ = 	snop  }
0x90: {  	(tm) =	ssettm $0x1  }
0x91: {  	s17 =	sld [smem:$0x3FFB];
	_ =	sdelay $0x3  }
0x92: {  	_ =	strace s17  }
0x93: {  	s2 =	sld [smem:$0x3FFC];
	_ =	sdelay $0x3  }
0x94: {  	_ =	strace s2  }
0x95: {  	s2 =	sld [smem:$0x3FFD];
	_ =	sdelay $0x3  }
0x96: {  	_ =	strace s2  }
0x97: {  	_ =	strace $0x8FFFFFFF  }
0x98: {  	s18 =	sld [smem:$0x3FDB];
	_ =	sdelay $0x1  }
0x99: {  	s19 =	simm.s32 $_scs_section_size  }
0x9a: {  	s4 =	simm.s32 $_size__tile_overlayer_lowered;
	s5 =	simm.s32 $_tile_overlayer_lowered  }
0x9b: {  	s22 =	simm.s32 $0x1BFF;
	s21 =	sshll.u32 s5, $0x1;
	s2 =	sadd.s32 s19, s18  }
0x9c: {  	s6 =	simm.s32 $0x0;
	s20 =	sshll.u32 s4, $0x1;
	s4 =	sadd.s32 s21, s2  }
0x9d: {  	[timem:s6], [sflag:s22] =	dma.local [hbm:s4], s20  }
0x9e: {  	_ =	swait.ge [sflag:s22], s20  }
0x9f: {  	s3 =	ssub.s32 $0x0, s20;
	[sflag:s22] =	ssyncset.done $0x0  }
0xa0: {  	[sflag:s22] =	ssyncadd.s32 s3;
	_ =	sdelay $0x1  }
0xa1: {  	s23 =	simm.s32 $0x1B8B  }
0xa2: {  	_ =	swait.ge [sflag:s23], $0x1  }
0xa3: {  	[sflag:s23] =	ssyncset.done $0x0  }
0xa4: {  	s25 =	simm.s32 $0x1B8E;
	s24 =	sld [smem:$0x3FFE];
	[sflag:s23] =	ssyncadd.s32 $0xFFFFFFFF  }
0xa5: {  	s26 =	simm.s32 $execute0_lowered;
	[smem:$0x3FD2] =	sst s25  }
0xa6: {  	s4 =	sshll.u32 s26, $0x1;
	_ =	strace $0x80000049;
	[dreg:$0x1] =	wrdreg $0xFFFFFFFF  }
0xa7: {  	s28 =	simm.s32 $_size_execute0_lowered;
	s2 =	sadd.s32 s2, s4;
	[dreg:$0x0] =	wrdreg $0x0  }
0xa8: {  	s4 =	sshll.u32 s28, $0x1;
	[dreg:$0x2] =	wrdreg s2  }
0xa9: {  	[dreg:$0x3] =	wrdreg s4  }
0xaa: {  	[dreg:$0x4] =	wrdreg $0xC0  }
0xab: {  	_ =	task [dreg:s6], $0x5FFFF  }
0xac: {  	[dreg:$0x1] =	wrdreg $0xFFFFFFFF  }
0xad: {  	[dreg:$0x0] =	wrdreg $0x60  }
0xae: {  	[dreg:$0x2] =	wrdreg s24  }
0xaf: {  	[dreg:$0x3] =	wrdreg $0x9  }
0xb0: {  	_ =	task.clear_ibuf [dreg:s6], $0x4FFFF;
	_ =	strace $0x90000049  }
0xb1: {  	s29 =	simm.s32 $0x9;
	_ =	strace $0x8000004B  }
0xb2: {  	_ =	swait.ge [sflag:s29], $0x1  }
0xb3: {  	[sflag:s29] =	ssyncadd.s32 $0xFFFFFFFF  }
0xb4: {  	_ =	strace $0x9000004B  }
0xb5: {  	_ =	sfence  }
0xb6: {  	s30 =	sld [smem:$0x0];
	_ =	sdelay $0x2  }
0xb7: {  	s31 =	sshll.u32 s1, $0xD;
	s1 =	sshrl.u32 s1, $0x2  }
0xb8: {  	s3 =	sand.u32 $0x4000, s31;
	s1 =	sadd.s32 s1, s30  }
0xb9: {  	s0 =	sor.u32 s3, s0;
	s1 =	sshll.u32 s1, $0x11  }
0xba: {  	s0 =	sor.u32 s1, s0  }
0xbb: {  	s0 =	sadd.s32 $0x8F2B, s0  }
0xbc: {  	[sflag:s0] =	ssyncadd.remote.s32 $0x1  }
0xbd: {  	_ =	sfence.sel $0xFFFF  }
0xbe: {  	[dreg:$0x0] =	wrdreg $0xFFFFFFFF;
	(pc) =	sbr.abs _section_cstart, $3  }
0xbf: {  	[dreg:$0x1] =	wrdreg $0xFFFFFFFF  }
0xc0: {  	_ =	task.clear_ibuf [dreg:s6], $0x2FFFF;
	_ =	strace $0x9FFFFFFF  }
0xc1: {  	(tm) =	ssettm $0x7FFFFFFF  }
tec
execute0_lowered:
.L_overlay_start_1:
0x0: {  	(tag) =	ssettag $0x1  }
0x1: {  	s8 =	rddreg [dreg:$0x0];
	s1 =	stileid.u32  }
0x2: {  	s2 =	srdreg.scid;
	s0 =	rddreg [dreg:$0x1]  }
0x3: {  	_ =	strace $0x8000004A;
	s5 =	simm.s32 $0x1;
	s9 =	simm.s32 $0x1  }
0x4: {  	s10 =	simm.s32 $0x3;
	s2 =	sand.u32 $0x1, s2;
	s3 =	sshll.u32 s1, $0x1  }
0x5: {  	s13 =	simm.s32 $0x0;
	s12 =	simm.s32 $0x0;
	s6 =	sor.u32 s3, s2  }
0x6: {  	[sflag:s5] =	ssyncpa.u1 $0x0;
	s2 =	sadd.s32 $0x2DEA00, s8;
	s4 =	smul.u32 $0xA0, s6  }
0x7: {  	s3 =	sadd.s32 $0x271000, s8;
	p0 =	slt.u32 s6, $0x13;
	s6 =	simm.s32 $0x1400  }
.Ltmp0:
0x8: {  	s6 =	simm.s32 @!p0 $0x0;
	s7 =	ssub.s32 $0x1F40, s4;
	(pc) =	sbr.rel .LBB2_1-.Ltmp0, $4  }
0x9: {  	s9 =	simm.s32 @!p0 $0x0;
	p0 =	sne.s32 s7, s6;
	s7 =	simm.s32 $0x1  }
0xa: {  	s8 =	sadd.s32 $0x271400, s8;
	s6 =	simm.s32 $0x2;
	s7 =	simm.s32 @!p0 $0x0  }
0xb: {  	s11 =	smov.u32 s4;
	[sflag:s6] =	ssyncpa.u1 $0x0;
	s7 =	sadd.s32 s9, s7  }
0xc: {  	vm0 =	vmmov $0xffff;
	[sflag:s10] =	ssyncpa.u1 $0x0;
	s10 =	simm.s32 $0x0;
	s9 =	sadd.s32 $0x1, s7  }
.LBB2_4:
0xd: {  	v5 =	vld.msk [tilespmem:s18+$0x0 ss:$0x1], $0xffff  }
0xe: {  	v6 =	vand.u32 $0x7, v1;
	v7 =	vshrl.u32 v1, $0x3  }
0xf: {  	v3 =	vor.u32 v4, v3;
	vm1 =	veq.s32 v1, $0x80000000;
	v53 =	vand.u32 $0x3FF, v7  }
0x10: {  	v2 =	vor.u32 v2, v3;
	v54 =	vsel vm1, $0xFFFFFFFF, v6;
	v1 =	vsel vm1, $0xFFFFFFFF, v53  }
0x11: {  	v6 =	vshll.u32 v54, $0x7;
	v3 =	vand.u32 $0xFFFFE000, v54;
	v55 =	vand.u32 $0x7F, v1  }
0x12: {  	v1 =	vshll.u32 v1, $0x3;
	v6 =	vand.u32 $0x380, v6;
	v56 =	vshrl.u32 v5, $0x3  }
0x13: {  	v1 =	vand.u32 $0xFFFFFC00, v1;
	vm1 =	veq.s32 v5, $0x80000000;
	v57 =	vand.u32 $0x3FF, v56  }
0x14: {  	v1 =	vadd.s32 v3, v1;
	v5 =	vand.u32 $0x7, v5;
	v3 =	vsel vm1, $0xFFFFFFFF, v57  }
0x15: {  	v1 =	vor.u32 v6, v1;
	v5 =	vsel vm1, $0xFFFFFFFF, v5;
	v58 =	vshll.u32 v3, $0x3  }
0x16: {  	v59 =	vshll.u32 v5, $0x7;
	v5 =	vand.u32 $0xFFFFE000, v5;
	v6 =	vand.u32 $0xFFFFFC00, v58  }
0x17: {  	v1 =	vor.u32 v55, v1;
	v61 =	vand.u32 $0x380, v59;
	v60 =	vadd.s32 v5, v6  }
0x18: {  	[tilespmem:s16], [sflag:$0x1] =	stream.indirect_vreg.gather [hbm4b:s2+s10], $0x1, v0, vm0, $0x4038;
	v62 =	vand.u32 $0x7F, v3;
	v63 =	vor.u32 v61, v60;
	[tilespmem:$0x280] =	vst v63  }
0x19: {  	(ifvalue) =	ssetifvalue $0x7FFFFFFF;
	v0 =	vor.u32 v62, v63  }
0x1a: {  	[tilespmem:s15], [sflag:$0x1] =	stream.indirect_vreg.gather [hbm4b:s2+s10], $0x1, v2, vm0, $0x4038;
	[tilespmem:$0x280] =	vst v63  }
0x1b: {  	s29 =	sadd.s32 $0x10, s15;
	(ifvalue) =	ssetifvalue $0x7FFFFFFF  }
0x1c: {  	[tilespmem:s29], [sflag:$0x1] =	stream.indirect_vreg.gather [hbm4b:s2+s10], $0x1, v1, vm0, $0x4038;
	[tilespmem:$0x280] =	vst v63  }
0x1d: {  	s15 =	sadd.s32 $0x10, s29;
	(ifvalue) =	ssetifvalue $0x7FFFFFFF  }
0x1e: {  	[tilespmem:s15], [sflag:$0x1] =	stream.indirect_vreg.gather [hbm4b:s2+s10], $0x1, v0, vm0, $0x4038;
	[tilespmem:$0x280] =	vst v63  }
0x1f: {  	_ =	swait.ge [sflag:s5], $0xA0  }
0x20: {  	s30 =	sshrl.u32 s13, $0x3;
	[sflag:s5] =	ssyncset.done $0x0  }
0x21: {  	s31 =	sand.u32 $0x7, s13;
	s15 =	sadd.s32 s8, s30;
	[sflag:s5] =	ssyncadd.s32 $0xFFFFFF60  }
0x22: {  	[hbm4b:s15+s31] =	stream.linear.scatter [tilespmem:s14], [sflag:$0x3], $0xA0, $0x38;
	[tilespmem:$0x280] =	vst v63  }
.LBB2_5:
0x23: {  	s15 =	sadd.s32 $0x1400, s11  }
0x24: {  	p1 =	sgt.s32 s15, $0x1F3F  }
0x25: {  	s15 =	smov.u32 @p1 s4;
	p1 =	sne.s32 s12, s9  }
.Ltmp1:
0x26: {  	p0 =	slt.u32 s12, $0x2;
	(pc) =	sbr.rel @!p1 .LBB2_6-.Ltmp1, $4  }
0x27: {  	s14 =	simm.s32 @!p0 $0x3  }
0x28: {  	_ =	swait.ge @!p0 [sflag:s14], $0xA0  }
0x29: {  	s16 =	sadd.s32 $0x1, s12;
	s13 =	smov.u32 s11;
	[sflag:s14] =	ssyncset.done @!p0 $0x0  }
0x2a: {  	s12 =	smov.u32 s16;
	s11 =	smov.u32 s15;
	[sflag:s14] =	ssyncadd.s32 @!p0 $0xFFFFFF60  }
.LBB2_1:
0x2b: {  	p0 =	sge.u32 s12, s7  }
0x2c: {  	s14 =	sxor.u32 @!p0 $0x1, s12  }
0x2d: {  	s14 =	smul.u32 @!p0 $0x280, s14  }
0x2e: {  	s31 =	sadd.s32 $0xFFFFFFFF, s12;
	s15 =	sshrl.u32 @!p0 s11, $0x3  }
0x2f: {  	s16 =	sand.u32 @!p0 $0x7, s11;
	s15 =	sadd.s32 @!p0 s3, s15;
	s14 =	sshra.s32 @!p0 s14, $0x2  }
0x30: {  	[tilespmem:s14], [sflag:$0x2] =	stream.linear.gather @!p0 [hbm4b:s15+s16], $0xA0, $0x38;
	[tilespmem:$0x280] =	vst v63  }
0x31: {  	p0 =	sge.u32 s31, s7  }
.Ltmp2:
0x32: {  	_ = 	snop;
	(pc) =	sbr.rel @p0 .LBB2_5-.Ltmp2, $1  }
0x33: {  	_ =	sdelay $0x3  }
0x34: {  	s14 =	sand.u32 $0x1, s12  }
0x35: {  	_ =	swait.ge [sflag:s6], $0xA0;
	p0 =	seq.s32 s14, $0x1;
	s14 =	simm.s32 $0xA0  }
0x36: {  	[sflag:s6] =	ssyncset.done $0x0;
	s14 =	simm.s32 @!p0 $0x0  }
0x37: {  	[sflag:s6] =	ssyncadd.s32 $0xFFFFFF60;
	(ifvalue) =	ssetifvalue $0x7FFFFFFF;
	v0 =	vld.msk [tilespmem:s14+$0x0 ss:$0x1], $0xffff;
	_ =	sdelay $0x4  }
0x38: {  	s15 =	sadd.s32 $0x10, s14;
	v2 =	vshrl.u32 v0, $0x3  }
0x39: {  	v1 =	vld.msk [tilespmem:s15+$0x0 ss:$0x1], $0xffff;
	vm1 =	veq.s32 v0, $0x80000000;
	v2 =	vand.u32 $0x3FF, v2  }
0x3a: {  	v0 =	vand.u32 $0x7, v0;
	v2 =	vsel vm1, $0xFFFFFFFF, v2  }
0x3b: {  	v0 =	vsel vm1, $0xFFFFFFFF, v0;
	v3 =	vshll.u32 v2, $0x3  }
0x3c: {  	v4 =	vand.u32 $0xFFFFE000, v0;
	v0 =	vshll.u32 v0, $0x7;
	v3 =	vand.u32 $0xFFFFFC00, v3  }
0x3d: {  	v0 =	vand.u32 $0x380, v0;
	v3 =	vadd.s32 v4, v3  }
0x3e: {  	v2 =	vand.u32 $0x7F, v2;
	v4 =	vshrl.u32 v1, $0x3;
	v0 =	vor.u32 v0, v3  }
0x3f: {  	vm1 =	veq.s32 v1, $0x80000000;
	v4 =	vand.u32 $0x3FF, v4;
	v0 =	vor.u32 v2, v0  }
0x40: {  	s15 =	sadd.s32 $0x10, s15;
	v1 =	vand.u32 $0x7, v1;
	v3 =	vsel vm1, $0xFFFFFFFF, v4  }
0x41: {  	s14 =	sor.u32 $0x140, s14;
	v2 =	vsel vm1, $0xFFFFFFFF, v1;
	v1 =	vld.msk [tilespmem:s15+$0x0 ss:$0x1], $0xffff;
	v4 =	vshll.u32 v3, $0x3  }
0x42: {  	s17 =	simm.s32 $0x30;
	s16 =	smov.u32 s14;
	v5 =	vshll.u32 v2, $0x7;
	v6 =	vand.u32 $0xFFFFE000, v2;
	v4 =	vand.u32 $0xFFFFFC00, v4  }
0x43: {  	s18 =	sadd.s32 $0x10, s15;
	(ifvalue) =	ssetifvalue $0x7FFFFFFF;
	s15 =	sadd.s32 $0x10, s14;
	v2 =	vand.u32 $0x7F, v3;
	v3 =	vadd.s32 v6, v4;
	v4 =	vand.u32 $0x380, v5  }
.LBB2_3:
0x44: {  	[tilespmem:s16], [sflag:$0x1] =	stream.indirect_vreg.gather [hbm4b:s2+s10], $0x1, v0, vm0, $0x4038;
	[tilespmem:$0x280] =	vst v63  }
0x45: {  	s17 =	sadd.s32 $0x10, s17  }
0x46: {  	v5 =	vand.u32 $0x7, v1;
	v6 =	vshrl.u32 v1, $0x3;
	v3 =	vor.u32 v4, v3;
	v0 =	vmovc v1;
	v1 =	vld.msk [tilespmem:s18+$0x0 ss:$0x1], $0xffff;
	p0 =	slt.u32 s17, $0x90  }
.Ltmp3:
0x47: {  	s16 =	smov.u32 s15;
	vm1 =	veq.s32 v0, $0x80000000;
	v4 =	vand.u32 $0x3FF, v6;
	v0 =	vor.u32 v2, v3;
	(pc) =	sbr.rel @p0 .LBB2_3-.Ltmp3, $4  }
0x48: {  	v3 =	vsel vm1, $0xFFFFFFFF, v5;
	v4 =	vsel vm1, $0xFFFFFFFF, v4  }
0x49: {  	v2 =	vand.u32 $0x7F, v4;
	v4 =	vshll.u32 v4, $0x3;
	v5 =	vshll.u32 v3, $0x7  }
0x4a: {  	v3 =	vand.u32 $0xFFFFE000, v3;
	v4 =	vand.u32 $0xFFFFFC00, v4  }
0x4b: {  	s18 =	sadd.s32 $0x10, s18;
	s15 =	sadd.s32 $0x10, s15;
	v3 =	vadd.s32 v3, v4;
	v4 =	vand.u32 $0x380, v5;
	(ifvalue) =	ssetifvalue $0x7FFFFFFF  }
.Ltmp4:
0x4c: {  	_ = 	snop;
	(pc) =	sbr.rel .LBB2_4-.Ltmp4, $1  }
0x4d: {  	_ =	sdelay $0x3  }
.LBB2_6:
0x4e: {  	_ =	sfence.sel $0x180000  }
0x4f: {  	s2 =	simm.s32 $0x2;
	[bflag:$0x0] =	sbarrier.arrive $0xFFFF  }
0x50: {  	s30 =	simm.s32 $0x3;
	[sflag:s2] =	ssyncpa.u1 $0x1  }
0x51: {  	s31 =	simm.s32 $0x1;
	[sflag:s30] =	ssyncpa.u1 $0x1  }
0x52: {  	[sflag:s31] =	ssyncpa.u1 $0x1  }
0x53: {  	p0 =	sne.s32 s1, $0x0;
	_ =	strace $0x9000004A  }
0x54: {  	s0 =	sadd.s32 @!p0 $0x100000, s0;
	[bflag:$0x2] =	sbarrier.arrive $0xFFFF  }
0x55: {  	[sflag:s0] =	ssyncadd.tile.s32 @!p0 $0x1;
	_ =	shalt  }
.Lfunc_end2:
_tile_overlayer_lowered:
.L_overlay_start_2:
0x56: {  	(tag) =	ssettag $0x2  }
0x57: {  	s0 =	rddreg [dreg:$0x0];
	s2 =	stileid.u32  }
0x58: {  	s1 =	rddreg [dreg:$0x1];
	p0 =	sne.s32 s2, $0x0  }
0x59: {  	s3 =	rddreg [dreg:$0x2];
	[bflag:$0x3] =	sbarrier.arrive $0xFFFF;
	s2 =	simm.s32 @!p0 $0x1C01  }
0x5a: {  	[timem:s3], [sflag:s2] =	dma.local @!p0 [hbm:s0], s1  }
0x5b: {  	s0 =	simm.s32 @!p0 $0x1  }
0x5c: {  	_ =	swait.ge @!p0 [sflag:s0], s1  }
0x5d: {  	s1 =	ssub.s32 @!p0 $0x0, s1;
	[sflag:s0] =	ssyncset.done @!p0 $0x0  }
0x5e: {  	[sflag:s0] =	ssyncadd.s32 @!p0 s1  }
0x5f: {  	[bflag:$0x3] =	sbarrier.arrive $0xFFFF  }
0x60: {  	_ =	shalt  }

// kernel: gather_offload_async_start.6
scs
__scs_entry_jumppad:
0x0: {  	(pc) =	sbr.rel $0x88, $3  }
0x1: {  	(tag) =	ssettag $0x0;
	lr =	simm.s32 $0x1  }
0x2: {  	[smem:$0x3F9B] =	sst lr;
	_ =	strace $0xD0000000  }
0x3: {  	_ = 	snop  }
0x4: {  	_ = 	snop  }
0x5: {  	_ = 	snop  }
0x6: {  	_ = 	snop  }
0x7: {  	_ = 	snop  }
__scs_overlays_trampoline_lowered:
0x8: {  	[smem:$0x3FAA] =	sst s0  }
0x9: {  	[smem:$0x3FAB] =	sst s1  }
0xa: {  	[smem:$0x3FAC] =	sst s2  }
0xb: {  	[smem:$0x3FAD] =	sst s3  }
0xc: {  	[smem:$0x3FAE] =	sst s4  }
0xd: {  	[smem:$0x3FAF] =	sst s5  }
0xe: {  	[smem:$0x3FB0] =	sst s6  }
0xf: {  	[smem:$0x3FB1] =	sst s7  }
0x10: {  	[smem:$0x3FB2] =	sst s8  }
0x11: {  	[smem:$0x3FB3] =	sst s9;
	s0 =	simm.s32 @!p0 $0x0  }
0x12: {  	s1 =	sld [smem:$0x3F99];
	s0 =	simm.s32 @p0 $0x1  }
0x13: {  	[smem:$0x3FB4] =	sst s0;
	s0 =	simm.s32 @!p1 $0x0  }
0x14: {  	s2 =	sld [smem:$0x3F98];
	s0 =	simm.s32 @p1 $0x1  }
0x15: {  	[smem:$0x3FB5] =	sst s0;
	s0 =	simm.s32 @!p2 $0x0  }
0x16: {  	s3 =	sld [smem:$0x3FDB];
	s0 =	simm.s32 @p2 $0x1  }
0x17: {  	s4 =	simm.s32 $0x1BF5;
	[smem:$0x3FB7] =	sst s0  }
0x18: {  	s0 =	sld [smem:$0x3F9A];
	_ =	swait.ge [sflag:s4], $0x0  }
0x19: {  	s7 =	sld [smem:$0x3F9B]  }
0x1a: {  	s8 =	sadd.s32 $0xFFFFE003, lr  }
0x1b: {  	s9 =	sadd.s32 $0xFFFFFEF7, lr;
	s5 =	simm.s32 $0xFFFFFFFF;
	p2 =	slt.u32 s8, $0xFFFFF086  }
0x1c: {  	p1 =	slt.u32 s9, $0xF7A;
	s5 =	simm.s32 @!p2 $0x0  }
0x1d: {  	s5 =	simm.s32 @p1 $0x1;
	p0 =	seq.s32 s7, s2  }
0x1e: {  	s7 =	smul.u32 @!p0 $0xF7A, s2;
	p2 =	seq.s32 @!p0 s5, $0x0  }
0x1f: {  	s9 =	smul.u32 $0xF7A, s1;
	s8 =	simm.s32 @!p0 $0x1BF5;
	p2 =	por !p2, p0  }
0x20: {  	[sflag:s8] =	ssyncset.s32 @!p0 $0xFFFFF086;
	s6 =	sadd.s32 @!p0 s3, s7;
	s7 =	simm.s32 @!p0 $0x108  }
0x21: {  	s3 =	sadd.s32 s3, s9;
	s6 =	sadd.s32 @!p0 $0x88, s6;
	s7 =	simm.s32 @p2 $0x1082  }
0x22: {  	[simem:s7], [sflag:s8] =	dma.local @!p0 [hbm:s6], $0xF7A  }
0x23: {  	s9 =	sor.u32 $0xD0000000, s2;
	s6 =	simm.s32 $0x108;
	_ =	swait.ge @!p0 [sflag:s8], $0x0  }
0x24: {  	s3 =	sadd.s32 $0x88, s3;
	s6 =	simm.s32 @!p1 $0x1082;
	[sflag:s4] =	ssyncset.s32 $0xFFFFF086  }
0x25: {  	[simem:s6], [sflag:s4] =	dma.local [hbm:s3], $0xF7A  }
0x26: {  	[smem:$0x3F9B] =	sst s1;
	(tag) =	ssettag s2;
	_ =	strace s9  }
0x27: {  	s1 =	sld [smem:$0x3FAB]  }
0x28: {  	s2 =	sld [smem:$0x3FAC]  }
0x29: {  	s4 =	sld [smem:$0x3FAE]  }
0x2a: {  	p0 =	seq.s32 s5, $0x0;
	s5 =	sld [smem:$0x3FAF]  }
0x2b: {  	s6 =	sld [smem:$0x3FB0]  }
0x2c: {  	s7 =	sld [smem:$0x3FB1]  }
0x2d: {  	s3 =	simm.s32 $0x108;
	s8 =	sld [smem:$0x3FB2]  }
0x2e: {  	s3 =	simm.s32 @!p0 $0x1082;
	s9 =	sld [smem:$0x3FB3]  }
0x2f: {  	lr =	sadd.s32 s0, s3;
	s0 =	sld [smem:$0x3FAA]  }
0x30: {  	s3 =	sld [smem:$0x3FAD]  }
0x31: {  	[smem:$0x3FB6] =	sst s10  }
0x32: {  	s10 =	sld [smem:$0x3FB4];
	_ =	sdelay $0x3  }
0x33: {  	p0 =	seq.s32 s10, $0x1;
	s10 =	sld [smem:$0x3FB6];
	_ =	sdelay $0x3  }
0x34: {  	[smem:$0x3FB6] =	sst s10  }
0x35: {  	s10 =	sld [smem:$0x3FB5];
	_ =	sdelay $0x3  }
0x36: {  	p1 =	seq.s32 s10, $0x1;
	s10 =	sld [smem:$0x3FB6];
	_ =	sdelay $0x3  }
0x37: {  	[smem:$0x3FB6] =	sst s10  }
0x38: {  	s10 =	sld [smem:$0x3FB7]  }
0x39: {  	_ = 	snop;
	(pc) =	sbr.ind lr, $3  }
0x3a: {  	_ = 	snop  }
0x3b: {  	_ = 	snop  }
0x3c: {  	p2 =	seq.s32 s10, $0x1;
	s10 =	sld [smem:$0x3FB6]  }
0x3d: {  	_ =	shalt  }
0x3e: {  	_ =	shalt  }
0x3f: {  	_ =	shalt  }
0x40: {  	_ =	shalt  }
0x41: {  	_ =	shalt  }
0x42: {  	_ =	shalt  }
0x43: {  	_ =	shalt  }
0x44: {  	_ =	shalt  }
0x45: {  	_ =	shalt  }
0x46: {  	_ =	shalt  }
0x47: {  	_ =	shalt  }
0x48: {  	_ =	shalt  }
0x49: {  	_ =	shalt  }
0x4a: {  	_ =	shalt  }
0x4b: {  	_ =	shalt  }
0x4c: {  	_ =	shalt  }
0x4d: {  	_ =	shalt  }
0x4e: {  	_ =	shalt  }
0x4f: {  	_ =	shalt  }
0x50: {  	_ =	shalt  }
0x51: {  	_ =	shalt  }
0x52: {  	_ =	shalt  }
0x53: {  	_ =	shalt  }
0x54: {  	_ =	shalt  }
0x55: {  	_ =	shalt  }
0x56: {  	_ =	shalt  }
0x57: {  	_ =	shalt  }
0x58: {  	_ =	shalt  }
0x59: {  	_ =	shalt  }
0x5a: {  	_ =	shalt  }
0x5b: {  	_ =	shalt  }
0x5c: {  	_ =	shalt  }
0x5d: {  	_ =	shalt  }
0x5e: {  	_ =	shalt  }
0x5f: {  	_ =	shalt  }
0x60: {  	_ =	shalt  }
0x61: {  	_ =	shalt  }
0x62: {  	_ =	shalt  }
0x63: {  	_ =	shalt  }
0x64: {  	_ =	shalt  }
0x65: {  	_ =	shalt  }
0x66: {  	_ =	shalt  }
0x67: {  	_ =	shalt  }
0x68: {  	_ =	shalt  }
0x69: {  	_ =	shalt  }
0x6a: {  	_ =	shalt  }
0x6b: {  	_ =	shalt  }
0x6c: {  	_ =	shalt  }
0x6d: {  	_ =	shalt  }
0x6e: {  	_ =	shalt  }
0x6f: {  	_ =	shalt  }
0x70: {  	_ =	shalt  }
0x71: {  	_ =	shalt  }
0x72: {  	_ =	shalt  }
0x73: {  	_ =	shalt  }
0x74: {  	_ =	shalt  }
0x75: {  	_ =	shalt  }
0x76: {  	_ =	shalt  }
0x77: {  	_ =	shalt  }
0x78: {  	_ =	shalt  }
0x79: {  	_ =	shalt  }
0x7a: {  	_ =	shalt  }
0x7b: {  	_ =	shalt  }
0x7c: {  	_ =	shalt  }
0x7d: {  	_ =	shalt  }
0x7e: {  	_ =	shalt  }
0x7f: {  	_ =	shalt  }
0x80: {  	_ =	shalt  }
0x81: {  	_ =	shalt  }
0x82: {  	_ =	shalt  }
0x83: {  	_ =	shalt  }
0x84: {  	_ =	shalt  }
0x85: {  	_ =	shalt  }
0x86: {  	_ =	shalt  }
0x87: {  	_ =	shalt  }
.Lfunc_end0:
.L_simem_size_0:
called_computation.6_lowered:
.L_overlay_start_0:
0x88: {  	s2 =	sld [smem:$0x3FD9]  }
0x89: {  	s3 =	sld [smem:$0x3FFE];
	_ =	sdelay $0x1  }
0x8a: {  	s1 =	srdreg.scid  }
0x8b: {  	s0 =	sand.u32 $0x1, s1  }
0x8c: {  	s16 =	sshll.u32 s0, $0xA;
	s2 =	sadd.s32 s3, s2  }
0x8d: {  	s2 =	sadd.s32 s2, s16  }
0x8e: {  	[smem:$0x3FC2] =	sst s2  }
0x8f: {  	_ = 	snop  }
0x90: {  	(tm) =	ssettm $0x1  }
0x91: {  	s17 =	sld [smem:$0x3FFB];
	_ =	sdelay $0x3  }
0x92: {  	_ =	strace s17  }
0x93: {  	s2 =	sld [smem:$0x3FFC];
	_ =	sdelay $0x3  }
0x94: {  	_ =	strace s2  }
0x95: {  	s2 =	sld [smem:$0x3FFD];
	_ =	sdelay $0x3  }
0x96: {  	_ =	strace s2  }
0x97: {  	_ =	strace $0x8FFFFFFF  }
0x98: {  	s18 =	sld [smem:$0x3FDB];
	_ =	sdelay $0x1  }
0x99: {  	s19 =	simm.s32 $_scs_section_size  }
0x9a: {  	s4 =	simm.s32 $_size__tile_overlayer_lowered;
	s5 =	simm.s32 $_tile_overlayer_lowered  }
0x9b: {  	s22 =	simm.s32 $0x1BFF;
	s21 =	sshll.u32 s5, $0x1;
	s2 =	sadd.s32 s19, s18  }
0x9c: {  	s6 =	simm.s32 $0x0;
	s20 =	sshll.u32 s4, $0x1;
	s4 =	sadd.s32 s21, s2  }
0x9d: {  	[timem:s6], [sflag:s22] =	dma.local [hbm:s4], s20  }
0x9e: {  	_ =	swait.ge [sflag:s22], s20  }
0x9f: {  	s3 =	ssub.s32 $0x0, s20;
	[sflag:s22] =	ssyncset.done $0x0  }
0xa0: {  	[sflag:s22] =	ssyncadd.s32 s3;
	_ =	sdelay $0x1  }
0xa1: {  	s23 =	simm.s32 $0x1B8B  }
0xa2: {  	_ =	swait.ge [sflag:s23], $0x1  }
0xa3: {  	[sflag:s23] =	ssyncset.done $0x0  }
0xa4: {  	s25 =	simm.s32 $0x1B8E;
	s24 =	sld [smem:$0x3FFE];
	[sflag:s23] =	ssyncadd.s32 $0xFFFFFFFF  }
0xa5: {  	s26 =	simm.s32 $execute0_lowered;
	[smem:$0x3FD2] =	sst s25  }
0xa6: {  	s4 =	sshll.u32 s26, $0x1;
	_ =	strace $0x80000052;
	[dreg:$0x1] =	wrdreg $0xFFFFFFFF  }
0xa7: {  	s28 =	simm.s32 $_size_execute0_lowered;
	s2 =	sadd.s32 s2, s4;
	[dreg:$0x0] =	wrdreg $0x0  }
0xa8: {  	s4 =	sshll.u32 s28, $0x1;
	[dreg:$0x2] =	wrdreg s2  }
0xa9: {  	[dreg:$0x3] =	wrdreg s4  }
0xaa: {  	[dreg:$0x4] =	wrdreg $0xC0  }
0xab: {  	_ =	task [dreg:s6], $0x5FFFF  }
0xac: {  	[dreg:$0x1] =	wrdreg $0xFFFFFFFF  }
0xad: {  	[dreg:$0x0] =	wrdreg $0x60  }
0xae: {  	[dreg:$0x2] =	wrdreg s24  }
0xaf: {  	[dreg:$0x3] =	wrdreg $0x9  }
0xb0: {  	_ =	task.clear_ibuf [dreg:s6], $0x4FFFF;
	_ =	strace $0x90000052  }
0xb1: {  	s29 =	simm.s32 $0x9;
	_ =	strace $0x80000054  }
0xb2: {  	_ =	swait.ge [sflag:s29], $0x1  }
0xb3: {  	[sflag:s29] =	ssyncadd.s32 $0xFFFFFFFF  }
0xb4: {  	_ =	strace $0x90000054  }
0xb5: {  	_ =	sfence  }
0xb6: {  	s30 =	sld [smem:$0x0];
	_ =	sdelay $0x2  }
0xb7: {  	s31 =	sshll.u32 s1, $0xD;
	s1 =	sshrl.u32 s1, $0x2  }
0xb8: {  	s3 =	sand.u32 $0x4000, s31;
	s1 =	sadd.s32 s1, s30  }
0xb9: {  	s0 =	sor.u32 s3, s0;
	s1 =	sshll.u32 s1, $0x11  }
0xba: {  	s0 =	sor.u32 s1, s0  }
0xbb: {  	s0 =	sadd.s32 $0x8F2B, s0  }
0xbc: {  	[sflag:s0] =	ssyncadd.remote.s32 $0x1  }
0xbd: {  	_ =	sfence.sel $0xFFFF  }
0xbe: {  	[dreg:$0x0] =	wrdreg $0xFFFFFFFF;
	(pc) =	sbr.abs _section_cstart, $3  }
0xbf: {  	[dreg:$0x1] =	wrdreg $0xFFFFFFFF  }
0xc0: {  	_ =	task.clear_ibuf [dreg:s6], $0x2FFFF;
	_ =	strace $0x9FFFFFFF  }
0xc1: {  	(tm) =	ssettm $0x7FFFFFFF  }
tec
execute0_lowered:
.L_overlay_start_1:
0x0: {  	(tag) =	ssettag $0x1  }
0x1: {  	s8 =	rddreg [dreg:$0x0];
	s1 =	stileid.u32  }
0x2: {  	s2 =	srdreg.scid;
	s0 =	rddreg [dreg:$0x1]  }
0x3: {  	_ =	strace $0x80000053;
	s5 =	simm.s32 $0x1;
	s9 =	simm.s32 $0x1  }
0x4: {  	s10 =	simm.s32 $0x3;
	s3 =	sand.u32 $0x1, s2;
	s4 =	sshll.u32 s1, $0x1  }
0x5: {  	s13 =	simm.s32 $0x0;
	s12 =	simm.s32 $0x0;
	s6 =	sor.u32 s4, s3  }
0x6: {  	s2 =	sadd.s32 $0x196400, s8;
	[sflag:s5] =	ssyncpa.u1 $0x0;
	s4 =	smul.u32 $0xA0, s6  }
0x7: {  	s3 =	sadd.s32 $0x290800, s8;
	p0 =	slt.u32 s6, $0x13;
	s6 =	simm.s32 $0x1400  }
.Ltmp0:
0x8: {  	s6 =	simm.s32 @!p0 $0x0;
	s7 =	ssub.s32 $0x1F40, s4;
	(pc) =	sbr.rel .LBB2_1-.Ltmp0, $4  }
0x9: {  	s9 =	simm.s32 @!p0 $0x0;
	p0 =	sne.s32 s7, s6;
	s7 =	simm.s32 $0x1  }
0xa: {  	s8 =	sadd.s32 $0x196800, s8;
	s6 =	simm.s32 $0x2;
	s7 =	simm.s32 @!p0 $0x0  }
0xb: {  	s11 =	smov.u32 s4;
	[sflag:s6] =	ssyncpa.u1 $0x0;
	s7 =	sadd.s32 s9, s7  }
0xc: {  	vm0 =	vmmov $0xffff;
	[sflag:s10] =	ssyncpa.u1 $0x0;
	s10 =	simm.s32 $0x0;
	s9 =	sadd.s32 $0x1, s7  }
.LBB2_4:
0xd: {  	v5 =	vld.msk [tilespmem:s18+$0x0 ss:$0x1], $0xffff  }
0xe: {  	v6 =	vand.u32 $0x7, v1;
	v7 =	vshrl.u32 v1, $0x3  }
0xf: {  	v3 =	vor.u32 v4, v3;
	vm1 =	veq.s32 v1, $0x80000000;
	v53 =	vand.u32 $0x3FF, v7  }
0x10: {  	v2 =	vor.u32 v2, v3;
	v54 =	vsel vm1, $0xFFFFFFFF, v6;
	v1 =	vsel vm1, $0xFFFFFFFF, v53  }
0x11: {  	v6 =	vshll.u32 v54, $0x7;
	v3 =	vand.u32 $0xFFFFE000, v54;
	v55 =	vand.u32 $0x7F, v1  }
0x12: {  	v1 =	vshll.u32 v1, $0x3;
	v6 =	vand.u32 $0x380, v6;
	v56 =	vshrl.u32 v5, $0x3  }
0x13: {  	v1 =	vand.u32 $0xFFFFFC00, v1;
	vm1 =	veq.s32 v5, $0x80000000;
	v57 =	vand.u32 $0x3FF, v56  }
0x14: {  	v1 =	vadd.s32 v3, v1;
	v5 =	vand.u32 $0x7, v5;
	v3 =	vsel vm1, $0xFFFFFFFF, v57  }
0x15: {  	v1 =	vor.u32 v6, v1;
	v5 =	vsel vm1, $0xFFFFFFFF, v5;
	v58 =	vshll.u32 v3, $0x3  }
0x16: {  	v59 =	vshll.u32 v5, $0x7;
	v5 =	vand.u32 $0xFFFFE000, v5;
	v6 =	vand.u32 $0xFFFFFC00, v58  }
0x17: {  	v1 =	vor.u32 v55, v1;
	v61 =	vand.u32 $0x380, v59;
	v60 =	vadd.s32 v5, v6  }
0x18: {  	[tilespmem:s16], [sflag:$0x1] =	stream.indirect_vreg.gather [hbm4b:s2+s10], $0x1, v0, vm0, $0x4038;
	v62 =	vand.u32 $0x7F, v3;
	v63 =	vor.u32 v61, v60;
	[tilespmem:$0x280] =	vst v63  }
0x19: {  	(ifvalue) =	ssetifvalue $0x7FFFFFFF;
	v0 =	vor.u32 v62, v63  }
0x1a: {  	[tilespmem:s15], [sflag:$0x1] =	stream.indirect_vreg.gather [hbm4b:s2+s10], $0x1, v2, vm0, $0x4038;
	[tilespmem:$0x280] =	vst v63  }
0x1b: {  	s29 =	sadd.s32 $0x10, s15;
	(ifvalue) =	ssetifvalue $0x7FFFFFFF  }
0x1c: {  	[tilespmem:s29], [sflag:$0x1] =	stream.indirect_vreg.gather [hbm4b:s2+s10], $0x1, v1, vm0, $0x4038;
	[tilespmem:$0x280] =	vst v63  }
0x1d: {  	s15 =	sadd.s32 $0x10, s29;
	(ifvalue) =	ssetifvalue $0x7FFFFFFF  }
0x1e: {  	[tilespmem:s15], [sflag:$0x1] =	stream.indirect_vreg.gather [hbm4b:s2+s10], $0x1, v0, vm0, $0x4038;
	[tilespmem:$0x280] =	vst v63  }
0x1f: {  	_ =	swait.ge [sflag:s5], $0xA0  }
0x20: {  	s30 =	sshrl.u32 s13, $0x3;
	[sflag:s5] =	ssyncset.done $0x0  }
0x21: {  	s31 =	sand.u32 $0x7, s13;
	s15 =	sadd.s32 s8, s30;
	[sflag:s5] =	ssyncadd.s32 $0xFFFFFF60  }
0x22: {  	[hbm4b:s15+s31] =	stream.linear.scatter [tilespmem:s14], [sflag:$0x3], $0xA0, $0x38;
	[tilespmem:$0x280] =	vst v63  }
.LBB2_5:
0x23: {  	s15 =	sadd.s32 $0x1400, s11  }
0x24: {  	p1 =	sgt.s32 s15, $0x1F3F  }
0x25: {  	s15 =	smov.u32 @p1 s4;
	p1 =	sne.s32 s12, s9  }
.Ltmp1:
0x26: {  	p0 =	slt.u32 s12, $0x2;
	(pc) =	sbr.rel @!p1 .LBB2_6-.Ltmp1, $4  }
0x27: {  	s14 =	simm.s32 @!p0 $0x3  }
0x28: {  	_ =	swait.ge @!p0 [sflag:s14], $0xA0  }
0x29: {  	s16 =	sadd.s32 $0x1, s12;
	s13 =	smov.u32 s11;
	[sflag:s14] =	ssyncset.done @!p0 $0x0  }
0x2a: {  	s12 =	smov.u32 s16;
	s11 =	smov.u32 s15;
	[sflag:s14] =	ssyncadd.s32 @!p0 $0xFFFFFF60  }
.LBB2_1:
0x2b: {  	p0 =	sge.u32 s12, s7  }
0x2c: {  	s14 =	sxor.u32 @!p0 $0x1, s12  }
0x2d: {  	s14 =	smul.u32 @!p0 $0x280, s14  }
0x2e: {  	s31 =	sadd.s32 $0xFFFFFFFF, s12;
	s15 =	sshrl.u32 @!p0 s11, $0x3  }
0x2f: {  	s16 =	sand.u32 @!p0 $0x7, s11;
	s15 =	sadd.s32 @!p0 s3, s15;
	s14 =	sshra.s32 @!p0 s14, $0x2  }
0x30: {  	[tilespmem:s14], [sflag:$0x2] =	stream.linear.gather @!p0 [hbm4b:s15+s16], $0xA0, $0x38;
	[tilespmem:$0x280] =	vst v63  }
0x31: {  	p0 =	sge.u32 s31, s7  }
.Ltmp2:
0x32: {  	_ = 	snop;
	(pc) =	sbr.rel @p0 .LBB2_5-.Ltmp2, $1  }
0x33: {  	_ =	sdelay $0x3  }
0x34: {  	s14 =	sand.u32 $0x1, s12  }
0x35: {  	_ =	swait.ge [sflag:s6], $0xA0;
	p0 =	seq.s32 s14, $0x1;
	s14 =	simm.s32 $0xA0  }
0x36: {  	[sflag:s6] =	ssyncset.done $0x0;
	s14 =	simm.s32 @!p0 $0x0  }
0x37: {  	[sflag:s6] =	ssyncadd.s32 $0xFFFFFF60;
	(ifvalue) =	ssetifvalue $0x7FFFFFFF;
	v0 =	vld.msk [tilespmem:s14+$0x0 ss:$0x1], $0xffff;
	_ =	sdelay $0x4  }
0x38: {  	s15 =	sadd.s32 $0x10, s14;
	v2 =	vshrl.u32 v0, $0x3  }
0x39: {  	v1 =	vld.msk [tilespmem:s15+$0x0 ss:$0x1], $0xffff;
	vm1 =	veq.s32 v0, $0x80000000;
	v2 =	vand.u32 $0x3FF, v2  }
0x3a: {  	v0 =	vand.u32 $0x7, v0;
	v2 =	vsel vm1, $0xFFFFFFFF, v2  }
0x3b: {  	v0 =	vsel vm1, $0xFFFFFFFF, v0;
	v3 =	vshll.u32 v2, $0x3  }
0x3c: {  	v4 =	vand.u32 $0xFFFFE000, v0;
	v0 =	vshll.u32 v0, $0x7;
	v3 =	vand.u32 $0xFFFFFC00, v3  }
0x3d: {  	v0 =	vand.u32 $0x380, v0;
	v3 =	vadd.s32 v4, v3  }
0x3e: {  	v2 =	vand.u32 $0x7F, v2;
	v4 =	vshrl.u32 v1, $0x3;
	v0 =	vor.u32 v0, v3  }
0x3f: {  	vm1 =	veq.s32 v1, $0x80000000;
	v4 =	vand.u32 $0x3FF, v4;
	v0 =	vor.u32 v2, v0  }
0x40: {  	s15 =	sadd.s32 $0x10, s15;
	v1 =	vand.u32 $0x7, v1;
	v3 =	vsel vm1, $0xFFFFFFFF, v4  }
0x41: {  	s14 =	sor.u32 $0x140, s14;
	v2 =	vsel vm1, $0xFFFFFFFF, v1;
	v1 =	vld.msk [tilespmem:s15+$0x0 ss:$0x1], $0xffff;
	v4 =	vshll.u32 v3, $0x3  }
0x42: {  	s17 =	simm.s32 $0x30;
	s16 =	smov.u32 s14;
	v5 =	vshll.u32 v2, $0x7;
	v6 =	vand.u32 $0xFFFFE000, v2;
	v4 =	vand.u32 $0xFFFFFC00, v4  }
0x43: {  	s18 =	sadd.s32 $0x10, s15;
	(ifvalue) =	ssetifvalue $0x7FFFFFFF;
	s15 =	sadd.s32 $0x10, s14;
	v2 =	vand.u32 $0x7F, v3;
	v3 =	vadd.s32 v6, v4;
	v4 =	vand.u32 $0x380, v5  }
.LBB2_3:
0x44: {  	[tilespmem:s16], [sflag:$0x1] =	stream.indirect_vreg.gather [hbm4b:s2+s10], $0x1, v0, vm0, $0x4038;
	[tilespmem:$0x280] =	vst v63  }
0x45: {  	s17 =	sadd.s32 $0x10, s17  }
0x46: {  	v5 =	vand.u32 $0x7, v1;
	v6 =	vshrl.u32 v1, $0x3;
	v3 =	vor.u32 v4, v3;
	v0 =	vmovc v1;
	v1 =	vld.msk [tilespmem:s18+$0x0 ss:$0x1], $0xffff;
	p0 =	slt.u32 s17, $0x90  }
.Ltmp3:
0x47: {  	s16 =	smov.u32 s15;
	vm1 =	veq.s32 v0, $0x80000000;
	v4 =	vand.u32 $0x3FF, v6;
	v0 =	vor.u32 v2, v3;
	(pc) =	sbr.rel @p0 .LBB2_3-.Ltmp3, $4  }
0x48: {  	v3 =	vsel vm1, $0xFFFFFFFF, v5;
	v4 =	vsel vm1, $0xFFFFFFFF, v4  }
0x49: {  	v2 =	vand.u32 $0x7F, v4;
	v4 =	vshll.u32 v4, $0x3;
	v5 =	vshll.u32 v3, $0x7  }
0x4a: {  	v3 =	vand.u32 $0xFFFFE000, v3;
	v4 =	vand.u32 $0xFFFFFC00, v4  }
0x4b: {  	s18 =	sadd.s32 $0x10, s18;
	s15 =	sadd.s32 $0x10, s15;
	v3 =	vadd.s32 v3, v4;
	v4 =	vand.u32 $0x380, v5;
	(ifvalue) =	ssetifvalue $0x7FFFFFFF  }
.Ltmp4:
0x4c: {  	_ = 	snop;
	(pc) =	sbr.rel .LBB2_4-.Ltmp4, $1  }
0x4d: {  	_ =	sdelay $0x3  }
.LBB2_6:
0x4e: {  	_ =	sfence.sel $0x180000  }
0x4f: {  	s2 =	simm.s32 $0x2;
	[bflag:$0x0] =	sbarrier.arrive $0xFFFF  }
0x50: {  	s30 =	simm.s32 $0x3;
	[sflag:s2] =	ssyncpa.u1 $0x1  }
0x51: {  	s31 =	simm.s32 $0x1;
	[sflag:s30] =	ssyncpa.u1 $0x1  }
0x52: {  	[sflag:s31] =	ssyncpa.u1 $0x1  }
0x53: {  	p0 =	sne.s32 s1, $0x0;
	_ =	strace $0x90000053  }
0x54: {  	s0 =	sadd.s32 @!p0 $0x100000, s0;
	[bflag:$0x2] =	sbarrier.arrive $0xFFFF  }
0x55: {  	[sflag:s0] =	ssyncadd.tile.s32 @!p0 $0x1;
	_ =	shalt  }
.Lfunc_end2:
_tile_overlayer_lowered:
.L_overlay_start_2:
0x56: {  	(tag) =	ssettag $0x2  }
0x57: {  	s0 =	rddreg [dreg:$0x0];
	s2 =	stileid.u32  }
0x58: {  	s1 =	rddreg [dreg:$0x1];
	p0 =	sne.s32 s2, $0x0  }
0x59: {  	s3 =	rddreg [dreg:$0x2];
	[bflag:$0x3] =	sbarrier.arrive $0xFFFF;
	s2 =	simm.s32 @!p0 $0x1C01  }
0x5a: {  	[timem:s3], [sflag:s2] =	dma.local @!p0 [hbm:s0], s1  }
0x5b: {  	s0 =	simm.s32 @!p0 $0x1  }
0x5c: {  	_ =	swait.ge @!p0 [sflag:s0], s1  }
0x5d: {  	s1 =	ssub.s32 @!p0 $0x0, s1;
	[sflag:s0] =	ssyncset.done @!p0 $0x0  }
0x5e: {  	[sflag:s0] =	ssyncadd.s32 @!p0 s1  }
0x5f: {  	[bflag:$0x3] =	sbarrier.arrive $0xFFFF  }
0x60: {  	_ =	shalt  }

// kernel: gather_offload_async_start.7
scs
__scs_entry_jumppad:
0x0: {  	(pc) =	sbr.rel $0x88, $3  }
0x1: {  	(tag) =	ssettag $0x0;
	lr =	simm.s32 $0x1  }
0x2: {  	[smem:$0x3F9B] =	sst lr;
	_ =	strace $0xD0000000  }
0x3: {  	_ = 	snop  }
0x4: {  	_ = 	snop  }
0x5: {  	_ = 	snop  }
0x6: {  	_ = 	snop  }
0x7: {  	_ = 	snop  }
__scs_overlays_trampoline_lowered:
0x8: {  	[smem:$0x3FAA] =	sst s0  }
0x9: {  	[smem:$0x3FAB] =	sst s1  }
0xa: {  	[smem:$0x3FAC] =	sst s2  }
0xb: {  	[smem:$0x3FAD] =	sst s3  }
0xc: {  	[smem:$0x3FAE] =	sst s4  }
0xd: {  	[smem:$0x3FAF] =	sst s5  }
0xe: {  	[smem:$0x3FB0] =	sst s6  }
0xf: {  	[smem:$0x3FB1] =	sst s7  }
0x10: {  	[smem:$0x3FB2] =	sst s8  }
0x11: {  	[smem:$0x3FB3] =	sst s9;
	s0 =	simm.s32 @!p0 $0x0  }
0x12: {  	s1 =	sld [smem:$0x3F99];
	s0 =	simm.s32 @p0 $0x1  }
0x13: {  	[smem:$0x3FB4] =	sst s0;
	s0 =	simm.s32 @!p1 $0x0  }
0x14: {  	s2 =	sld [smem:$0x3F98];
	s0 =	simm.s32 @p1 $0x1  }
0x15: {  	[smem:$0x3FB5] =	sst s0;
	s0 =	simm.s32 @!p2 $0x0  }
0x16: {  	s3 =	sld [smem:$0x3FDB];
	s0 =	simm.s32 @p2 $0x1  }
0x17: {  	s4 =	simm.s32 $0x1BF5;
	[smem:$0x3FB7] =	sst s0  }
0x18: {  	s0 =	sld [smem:$0x3F9A];
	_ =	swait.ge [sflag:s4], $0x0  }
0x19: {  	s7 =	sld [smem:$0x3F9B]  }
0x1a: {  	s8 =	sadd.s32 $0xFFFFE003, lr  }
0x1b: {  	s9 =	sadd.s32 $0xFFFFFEF7, lr;
	s5 =	simm.s32 $0xFFFFFFFF;
	p2 =	slt.u32 s8, $0xFFFFF086  }
0x1c: {  	p1 =	slt.u32 s9, $0xF7A;
	s5 =	simm.s32 @!p2 $0x0  }
0x1d: {  	s5 =	simm.s32 @p1 $0x1;
	p0 =	seq.s32 s7, s2  }
0x1e: {  	s7 =	smul.u32 @!p0 $0xF7A, s2;
	p2 =	seq.s32 @!p0 s5, $0x0  }
0x1f: {  	s9 =	smul.u32 $0xF7A, s1;
	s8 =	simm.s32 @!p0 $0x1BF5;
	p2 =	por !p2, p0  }
0x20: {  	[sflag:s8] =	ssyncset.s32 @!p0 $0xFFFFF086;
	s6 =	sadd.s32 @!p0 s3, s7;
	s7 =	simm.s32 @!p0 $0x108  }
0x21: {  	s3 =	sadd.s32 s3, s9;
	s6 =	sadd.s32 @!p0 $0x88, s6;
	s7 =	simm.s32 @p2 $0x1082  }
0x22: {  	[simem:s7], [sflag:s8] =	dma.local @!p0 [hbm:s6], $0xF7A  }
0x23: {  	s9 =	sor.u32 $0xD0000000, s2;
	s6 =	simm.s32 $0x108;
	_ =	swait.ge @!p0 [sflag:s8], $0x0  }
0x24: {  	s3 =	sadd.s32 $0x88, s3;
	s6 =	simm.s32 @!p1 $0x1082;
	[sflag:s4] =	ssyncset.s32 $0xFFFFF086  }
0x25: {  	[simem:s6], [sflag:s4] =	dma.local [hbm:s3], $0xF7A  }
0x26: {  	[smem:$0x3F9B] =	sst s1;
	(tag) =	ssettag s2;
	_ =	strace s9  }
0x27: {  	s1 =	sld [smem:$0x3FAB]  }
0x28: {  	s2 =	sld [smem:$0x3FAC]  }
0x29: {  	s4 =	sld [smem:$0x3FAE]  }
0x2a: {  	p0 =	seq.s32 s5, $0x0;
	s5 =	sld [smem:$0x3FAF]  }
0x2b: {  	s6 =	sld [smem:$0x3FB0]  }
0x2c: {  	s7 =	sld [smem:$0x3FB1]  }
0x2d: {  	s3 =	simm.s32 $0x108;
	s8 =	sld [smem:$0x3FB2]  }
0x2e: {  	s3 =	simm.s32 @!p0 $0x1082;
	s9 =	sld [smem:$0x3FB3]  }
0x2f: {  	lr =	sadd.s32 s0, s3;
	s0 =	sld [smem:$0x3FAA]  }
0x30: {  	s3 =	sld [smem:$0x3FAD]  }
0x31: {  	[smem:$0x3FB6] =	sst s10  }
0x32: {  	s10 =	sld [smem:$0x3FB4];
	_ =	sdelay $0x3  }
0x33: {  	p0 =	seq.s32 s10, $0x1;
	s10 =	sld [smem:$0x3FB6];
	_ =	sdelay $0x3  }
0x34: {  	[smem:$0x3FB6] =	sst s10  }
0x35: {  	s10 =	sld [smem:$0x3FB5];
	_ =	sdelay $0x3  }
0x36: {  	p1 =	seq.s32 s10, $0x1;
	s10 =	sld [smem:$0x3FB6];
	_ =	sdelay $0x3  }
0x37: {  	[smem:$0x3FB6] =	sst s10  }
0x38: {  	s10 =	sld [smem:$0x3FB7]  }
0x39: {  	_ = 	snop;
	(pc) =	sbr.ind lr, $3  }
0x3a: {  	_ = 	snop  }
0x3b: {  	_ = 	snop  }
0x3c: {  	p2 =	seq.s32 s10, $0x1;
	s10 =	sld [smem:$0x3FB6]  }
0x3d: {  	_ =	shalt  }
0x3e: {  	_ =	shalt  }
0x3f: {  	_ =	shalt  }
0x40: {  	_ =	shalt  }
0x41: {  	_ =	shalt  }
0x42: {  	_ =	shalt  }
0x43: {  	_ =	shalt  }
0x44: {  	_ =	shalt  }
0x45: {  	_ =	shalt  }
0x46: {  	_ =	shalt  }
0x47: {  	_ =	shalt  }
0x48: {  	_ =	shalt  }
0x49: {  	_ =	shalt  }
0x4a: {  	_ =	shalt  }
0x4b: {  	_ =	shalt  }
0x4c: {  	_ =	shalt  }
0x4d: {  	_ =	shalt  }
0x4e: {  	_ =	shalt  }
0x4f: {  	_ =	shalt  }
0x50: {  	_ =	shalt  }
0x51: {  	_ =	shalt  }
0x52: {  	_ =	shalt  }
0x53: {  	_ =	shalt  }
0x54: {  	_ =	shalt  }
0x55: {  	_ =	shalt  }
0x56: {  	_ =	shalt  }
0x57: {  	_ =	shalt  }
0x58: {  	_ =	shalt  }
0x59: {  	_ =	shalt  }
0x5a: {  	_ =	shalt  }
0x5b: {  	_ =	shalt  }
0x5c: {  	_ =	shalt  }
0x5d: {  	_ =	shalt  }
0x5e: {  	_ =	shalt  }
0x5f: {  	_ =	shalt  }
0x60: {  	_ =	shalt  }
0x61: {  	_ =	shalt  }
0x62: {  	_ =	shalt  }
0x63: {  	_ =	shalt  }
0x64: {  	_ =	shalt  }
0x65: {  	_ =	shalt  }
0x66: {  	_ =	shalt  }
0x67: {  	_ =	shalt  }
0x68: {  	_ =	shalt  }
0x69: {  	_ =	shalt  }
0x6a: {  	_ =	shalt  }
0x6b: {  	_ =	shalt  }
0x6c: {  	_ =	shalt  }
0x6d: {  	_ =	shalt  }
0x6e: {  	_ =	shalt  }
0x6f: {  	_ =	shalt  }
0x70: {  	_ =	shalt  }
0x71: {  	_ =	shalt  }
0x72: {  	_ =	shalt  }
0x73: {  	_ =	shalt  }
0x74: {  	_ =	shalt  }
0x75: {  	_ =	shalt  }
0x76: {  	_ =	shalt  }
0x77: {  	_ =	shalt  }
0x78: {  	_ =	shalt  }
0x79: {  	_ =	shalt  }
0x7a: {  	_ =	shalt  }
0x7b: {  	_ =	shalt  }
0x7c: {  	_ =	shalt  }
0x7d: {  	_ =	shalt  }
0x7e: {  	_ =	shalt  }
0x7f: {  	_ =	shalt  }
0x80: {  	_ =	shalt  }
0x81: {  	_ =	shalt  }
0x82: {  	_ =	shalt  }
0x83: {  	_ =	shalt  }
0x84: {  	_ =	shalt  }
0x85: {  	_ =	shalt  }
0x86: {  	_ =	shalt  }
0x87: {  	_ =	shalt  }
.Lfunc_end0:
.L_simem_size_0:
called_computation.7_lowered:
.L_overlay_start_0:
0x88: {  	s2 =	sld [smem:$0x3FD9]  }
0x89: {  	s3 =	sld [smem:$0x3FFE];
	_ =	sdelay $0x1  }
0x8a: {  	s1 =	srdreg.scid  }
0x8b: {  	s0 =	sand.u32 $0x1, s1  }
0x8c: {  	s16 =	sshll.u32 s0, $0xA;
	s2 =	sadd.s32 s3, s2  }
0x8d: {  	s2 =	sadd.s32 s2, s16  }
0x8e: {  	[smem:$0x3FC2] =	sst s2  }
0x8f: {  	_ = 	snop  }
0x90: {  	(tm) =	ssettm $0x1  }
0x91: {  	s17 =	sld [smem:$0x3FFB];
	_ =	sdelay $0x3  }
0x92: {  	_ =	strace s17  }
0x93: {  	s2 =	sld [smem:$0x3FFC];
	_ =	sdelay $0x3  }
0x94: {  	_ =	strace s2  }
0x95: {  	s2 =	sld [smem:$0x3FFD];
	_ =	sdelay $0x3  }
0x96: {  	_ =	strace s2  }
0x97: {  	_ =	strace $0x8FFFFFFF  }
0x98: {  	s18 =	sld [smem:$0x3FDB];
	_ =	sdelay $0x1  }
0x99: {  	s19 =	simm.s32 $_scs_section_size  }
0x9a: {  	s4 =	simm.s32 $_size__tile_overlayer_lowered;
	s5 =	simm.s32 $_tile_overlayer_lowered  }
0x9b: {  	s22 =	simm.s32 $0x1BFF;
	s21 =	sshll.u32 s5, $0x1;
	s2 =	sadd.s32 s19, s18  }
0x9c: {  	s6 =	simm.s32 $0x0;
	s20 =	sshll.u32 s4, $0x1;
	s4 =	sadd.s32 s21, s2  }
0x9d: {  	[timem:s6], [sflag:s22] =	dma.local [hbm:s4], s20  }
0x9e: {  	_ =	swait.ge [sflag:s22], s20  }
0x9f: {  	s3 =	ssub.s32 $0x0, s20;
	[sflag:s22] =	ssyncset.done $0x0  }
0xa0: {  	[sflag:s22] =	ssyncadd.s32 s3;
	_ =	sdelay $0x1  }
0xa1: {  	s23 =	simm.s32 $0x1B8B  }
0xa2: {  	_ =	swait.ge [sflag:s23], $0x1  }
0xa3: {  	[sflag:s23] =	ssyncset.done $0x0  }
0xa4: {  	s25 =	simm.s32 $0x1B8E;
	s24 =	sld [smem:$0x3FFE];
	[sflag:s23] =	ssyncadd.s32 $0xFFFFFFFF  }
0xa5: {  	s26 =	simm.s32 $execute0_lowered;
	[smem:$0x3FD2] =	sst s25  }
0xa6: {  	s4 =	sshll.u32 s26, $0x1;
	_ =	strace $0x80000055;
	[dreg:$0x1] =	wrdreg $0xFFFFFFFF  }
0xa7: {  	s28 =	simm.s32 $_size_execute0_lowered;
	s2 =	sadd.s32 s2, s4;
	[dreg:$0x0] =	wrdreg $0x0  }
0xa8: {  	s4 =	sshll.u32 s28, $0x1;
	[dreg:$0x2] =	wrdreg s2  }
0xa9: {  	[dreg:$0x3] =	wrdreg s4  }
0xaa: {  	[dreg:$0x4] =	wrdreg $0xC0  }
0xab: {  	_ =	task [dreg:s6], $0x5FFFF  }
0xac: {  	[dreg:$0x1] =	wrdreg $0xFFFFFFFF  }
0xad: {  	[dreg:$0x0] =	wrdreg $0x60  }
0xae: {  	[dreg:$0x2] =	wrdreg s24  }
0xaf: {  	[dreg:$0x3] =	wrdreg $0x9  }
0xb0: {  	_ =	task.clear_ibuf [dreg:s6], $0x4FFFF;
	_ =	strace $0x90000055  }
0xb1: {  	s29 =	simm.s32 $0x9;
	_ =	strace $0x80000057  }
0xb2: {  	_ =	swait.ge [sflag:s29], $0x1  }
0xb3: {  	[sflag:s29] =	ssyncadd.s32 $0xFFFFFFFF  }
0xb4: {  	_ =	strace $0x90000057  }
0xb5: {  	_ =	sfence  }
0xb6: {  	s30 =	sld [smem:$0x0];
	_ =	sdelay $0x2  }
0xb7: {  	s31 =	sshll.u32 s1, $0xD;
	s1 =	sshrl.u32 s1, $0x2  }
0xb8: {  	s3 =	sand.u32 $0x4000, s31;
	s1 =	sadd.s32 s1, s30  }
0xb9: {  	s0 =	sor.u32 s3, s0;
	s1 =	sshll.u32 s1, $0x11  }
0xba: {  	s0 =	sor.u32 s1, s0  }
0xbb: {  	s0 =	sadd.s32 $0x8F2B, s0  }
0xbc: {  	[sflag:s0] =	ssyncadd.remote.s32 $0x1  }
0xbd: {  	_ =	sfence.sel $0xFFFF  }
0xbe: {  	[dreg:$0x0] =	wrdreg $0xFFFFFFFF;
	(pc) =	sbr.abs _section_cstart, $3  }
0xbf: {  	[dreg:$0x1] =	wrdreg $0xFFFFFFFF  }
0xc0: {  	_ =	task.clear_ibuf [dreg:s6], $0x2FFFF;
	_ =	strace $0x9FFFFFFF  }
0xc1: {  	(tm) =	ssettm $0x7FFFFFFF  }
tec
execute0_lowered:
.L_overlay_start_1:
0x0: {  	(tag) =	ssettag $0x1  }
0x1: {  	s0 =	stileid.u32  }
0x2: {  	s1 =	srdreg.scid;
	s2 =	rddreg [dreg:$0x0]  }
0x3: {  	s5 =	simm.s32 $0x1;
	s8 =	simm.s32 $0x1;
	s9 =	simm.s32 $0x3  }
0x4: {  	s10 =	simm.s32 $0x0;
	s3 =	sand.u32 $0x1, s1;
	s4 =	sshll.u32 s0, $0x1  }
0x5: {  	s13 =	simm.s32 $0x0;
	s12 =	simm.s32 $0x0;
	s6 =	sor.u32 s4, s3  }
0x6: {  	s1 =	rddreg [dreg:$0x1];
	_ =	strace $0x80000056;
	s4 =	smul.u32 $0xA0, s6  }
0x7: {  	s3 =	sadd.s32 $0x271000, s2;
	p0 =	slt.u32 s6, $0x13;
	s6 =	simm.s32 $0x1400  }
.Ltmp0:
0x8: {  	s6 =	simm.s32 @!p0 $0x0;
	s7 =	ssub.s32 $0x1F40, s4;
	(pc) =	sbr.rel .LBB2_1-.Ltmp0, $4  }
0x9: {  	s8 =	simm.s32 @!p0 $0x0;
	p0 =	sne.s32 s7, s6;
	s7 =	simm.s32 $0x1  }
0xa: {  	[sflag:s5] =	ssyncpa.u1 $0x0;
	s6 =	simm.s32 $0x2;
	s7 =	simm.s32 @!p0 $0x0  }
0xb: {  	s11 =	smov.u32 s4;
	[sflag:s6] =	ssyncpa.u1 $0x0;
	s7 =	sadd.s32 s8, s7  }
0xc: {  	vm0 =	vmmov $0xffff;
	s8 =	sadd.s32 $0x290800, s2;
	[sflag:s9] =	ssyncpa.u1 $0x0;
	s9 =	sadd.s32 $0x1, s7  }
.LBB2_4:
0xd: {  	v5 =	vld.msk [tilespmem:s18+$0x0 ss:$0x1], $0xffff  }
0xe: {  	v6 =	vand.u32 $0x7, v1;
	v7 =	vshrl.u32 v1, $0x3  }
0xf: {  	v3 =	vor.u32 v4, v3;
	vm1 =	veq.s32 v1, $0x80000000;
	v53 =	vand.u32 $0x3FF, v7  }
0x10: {  	v2 =	vor.u32 v2, v3;
	v54 =	vsel vm1, $0xFFFFFFFF, v6;
	v1 =	vsel vm1, $0xFFFFFFFF, v53  }
0x11: {  	v6 =	vshll.u32 v54, $0x7;
	v3 =	vand.u32 $0xFFFFE000, v54;
	v55 =	vand.u32 $0x7F, v1  }
0x12: {  	v1 =	vshll.u32 v1, $0x3;
	v6 =	vand.u32 $0x380, v6;
	v56 =	vshrl.u32 v5, $0x3  }
0x13: {  	v1 =	vand.u32 $0xFFFFFC00, v1;
	vm1 =	veq.s32 v5, $0x80000000;
	v57 =	vand.u32 $0x3FF, v56  }
0x14: {  	v1 =	vadd.s32 v3, v1;
	v5 =	vand.u32 $0x7, v5;
	v3 =	vsel vm1, $0xFFFFFFFF, v57  }
0x15: {  	v1 =	vor.u32 v6, v1;
	v5 =	vsel vm1, $0xFFFFFFFF, v5;
	v58 =	vshll.u32 v3, $0x3  }
0x16: {  	v59 =	vshll.u32 v5, $0x7;
	v5 =	vand.u32 $0xFFFFE000, v5;
	v6 =	vand.u32 $0xFFFFFC00, v58  }
0x17: {  	v1 =	vor.u32 v55, v1;
	v61 =	vand.u32 $0x380, v59;
	v60 =	vadd.s32 v5, v6  }
0x18: {  	[tilespmem:s16], [sflag:$0x1] =	stream.indirect_vreg.gather [hbm4b:s3+s10], $0x1, v0, vm0, $0x4038;
	v62 =	vand.u32 $0x7F, v3;
	v63 =	vor.u32 v61, v60;
	[tilespmem:$0x280] =	vst v63  }
0x19: {  	(ifvalue) =	ssetifvalue $0x7FFFFFFF;
	v0 =	vor.u32 v62, v63  }
0x1a: {  	[tilespmem:s15], [sflag:$0x1] =	stream.indirect_vreg.gather [hbm4b:s3+s10], $0x1, v2, vm0, $0x4038;
	[tilespmem:$0x280] =	vst v63  }
0x1b: {  	s29 =	sadd.s32 $0x10, s15;
	(ifvalue) =	ssetifvalue $0x7FFFFFFF  }
0x1c: {  	[tilespmem:s29], [sflag:$0x1] =	stream.indirect_vreg.gather [hbm4b:s3+s10], $0x1, v1, vm0, $0x4038;
	[tilespmem:$0x280] =	vst v63  }
0x1d: {  	s15 =	sadd.s32 $0x10, s29;
	(ifvalue) =	ssetifvalue $0x7FFFFFFF  }
0x1e: {  	[tilespmem:s15], [sflag:$0x1] =	stream.indirect_vreg.gather [hbm4b:s3+s10], $0x1, v0, vm0, $0x4038;
	[tilespmem:$0x280] =	vst v63  }
0x1f: {  	_ =	swait.ge [sflag:s5], $0xA0  }
0x20: {  	s30 =	sshrl.u32 s13, $0x3;
	[sflag:s5] =	ssyncset.done $0x0  }
0x21: {  	s31 =	sand.u32 $0x7, s13;
	s15 =	sadd.s32 s2, s30;
	[sflag:s5] =	ssyncadd.s32 $0xFFFFFF60  }
0x22: {  	[hbm4b:s15+s31] =	stream.linear.scatter [tilespmem:s14], [sflag:$0x3], $0xA0, $0x38;
	[tilespmem:$0x280] =	vst v63  }
.LBB2_5:
0x23: {  	s15 =	sadd.s32 $0x1400, s11  }
0x24: {  	p1 =	sgt.s32 s15, $0x1F3F  }
0x25: {  	s15 =	smov.u32 @p1 s4;
	p1 =	sne.s32 s12, s9  }
.Ltmp1:
0x26: {  	p0 =	slt.u32 s12, $0x2;
	(pc) =	sbr.rel @!p1 .LBB2_6-.Ltmp1, $4  }
0x27: {  	s14 =	simm.s32 @!p0 $0x3  }
0x28: {  	_ =	swait.ge @!p0 [sflag:s14], $0xA0  }
0x29: {  	s16 =	sadd.s32 $0x1, s12;
	s13 =	smov.u32 s11;
	[sflag:s14] =	ssyncset.done @!p0 $0x0  }
0x2a: {  	s12 =	smov.u32 s16;
	s11 =	smov.u32 s15;
	[sflag:s14] =	ssyncadd.s32 @!p0 $0xFFFFFF60  }
.LBB2_1:
0x2b: {  	p0 =	sge.u32 s12, s7  }
0x2c: {  	s14 =	sxor.u32 @!p0 $0x1, s12  }
0x2d: {  	s14 =	smul.u32 @!p0 $0x280, s14  }
0x2e: {  	s31 =	sadd.s32 $0xFFFFFFFF, s12;
	s15 =	sshrl.u32 @!p0 s11, $0x3  }
0x2f: {  	s16 =	sand.u32 @!p0 $0x7, s11;
	s15 =	sadd.s32 @!p0 s8, s15;
	s14 =	sshra.s32 @!p0 s14, $0x2  }
0x30: {  	[tilespmem:s14], [sflag:$0x2] =	stream.linear.gather @!p0 [hbm4b:s15+s16], $0xA0, $0x38;
	[tilespmem:$0x280] =	vst v63  }
0x31: {  	p0 =	sge.u32 s31, s7  }
.Ltmp2:
0x32: {  	_ = 	snop;
	(pc) =	sbr.rel @p0 .LBB2_5-.Ltmp2, $1  }
0x33: {  	_ =	sdelay $0x3  }
0x34: {  	s14 =	sand.u32 $0x1, s12  }
0x35: {  	_ =	swait.ge [sflag:s6], $0xA0;
	p0 =	seq.s32 s14, $0x1;
	s14 =	simm.s32 $0xA0  }
0x36: {  	[sflag:s6] =	ssyncset.done $0x0;
	s14 =	simm.s32 @!p0 $0x0  }
0x37: {  	[sflag:s6] =	ssyncadd.s32 $0xFFFFFF60;
	(ifvalue) =	ssetifvalue $0x7FFFFFFF;
	v0 =	vld.msk [tilespmem:s14+$0x0 ss:$0x1], $0xffff;
	_ =	sdelay $0x4  }
0x38: {  	s15 =	sadd.s32 $0x10, s14;
	v2 =	vshrl.u32 v0, $0x3  }
0x39: {  	v1 =	vld.msk [tilespmem:s15+$0x0 ss:$0x1], $0xffff;
	vm1 =	veq.s32 v0, $0x80000000;
	v2 =	vand.u32 $0x3FF, v2  }
0x3a: {  	v0 =	vand.u32 $0x7, v0;
	v2 =	vsel vm1, $0xFFFFFFFF, v2  }
0x3b: {  	v0 =	vsel vm1, $0xFFFFFFFF, v0;
	v3 =	vshll.u32 v2, $0x3  }
0x3c: {  	v4 =	vand.u32 $0xFFFFE000, v0;
	v0 =	vshll.u32 v0, $0x7;
	v3 =	vand.u32 $0xFFFFFC00, v3  }
0x3d: {  	v0 =	vand.u32 $0x380, v0;
	v3 =	vadd.s32 v4, v3  }
0x3e: {  	v2 =	vand.u32 $0x7F, v2;
	v4 =	vshrl.u32 v1, $0x3;
	v0 =	vor.u32 v0, v3  }
0x3f: {  	vm1 =	veq.s32 v1, $0x80000000;
	v4 =	vand.u32 $0x3FF, v4;
	v0 =	vor.u32 v2, v0  }
0x40: {  	s15 =	sadd.s32 $0x10, s15;
	v1 =	vand.u32 $0x7, v1;
	v3 =	vsel vm1, $0xFFFFFFFF, v4  }
0x41: {  	s14 =	sor.u32 $0x140, s14;
	v2 =	vsel vm1, $0xFFFFFFFF, v1;
	v1 =	vld.msk [tilespmem:s15+$0x0 ss:$0x1], $0xffff;
	v4 =	vshll.u32 v3, $0x3  }
0x42: {  	s17 =	simm.s32 $0x30;
	s16 =	smov.u32 s14;
	v5 =	vshll.u32 v2, $0x7;
	v6 =	vand.u32 $0xFFFFE000, v2;
	v4 =	vand.u32 $0xFFFFFC00, v4  }
0x43: {  	s18 =	sadd.s32 $0x10, s15;
	(ifvalue) =	ssetifvalue $0x7FFFFFFF;
	s15 =	sadd.s32 $0x10, s14;
	v2 =	vand.u32 $0x7F, v3;
	v3 =	vadd.s32 v6, v4;
	v4 =	vand.u32 $0x380, v5  }
.LBB2_3:
0x44: {  	[tilespmem:s16], [sflag:$0x1] =	stream.indirect_vreg.gather [hbm4b:s3+s10], $0x1, v0, vm0, $0x4038;
	[tilespmem:$0x280] =	vst v63  }
0x45: {  	s17 =	sadd.s32 $0x10, s17  }
0x46: {  	v5 =	vand.u32 $0x7, v1;
	v6 =	vshrl.u32 v1, $0x3;
	v3 =	vor.u32 v4, v3;
	v0 =	vmovc v1;
	v1 =	vld.msk [tilespmem:s18+$0x0 ss:$0x1], $0xffff;
	p0 =	slt.u32 s17, $0x90  }
.Ltmp3:
0x47: {  	s16 =	smov.u32 s15;
	vm1 =	veq.s32 v0, $0x80000000;
	v4 =	vand.u32 $0x3FF, v6;
	v0 =	vor.u32 v2, v3;
	(pc) =	sbr.rel @p0 .LBB2_3-.Ltmp3, $4  }
0x48: {  	v3 =	vsel vm1, $0xFFFFFFFF, v5;
	v4 =	vsel vm1, $0xFFFFFFFF, v4  }
0x49: {  	v2 =	vand.u32 $0x7F, v4;
	v4 =	vshll.u32 v4, $0x3;
	v5 =	vshll.u32 v3, $0x7  }
0x4a: {  	v3 =	vand.u32 $0xFFFFE000, v3;
	v4 =	vand.u32 $0xFFFFFC00, v4  }
0x4b: {  	s18 =	sadd.s32 $0x10, s18;
	s15 =	sadd.s32 $0x10, s15;
	v3 =	vadd.s32 v3, v4;
	v4 =	vand.u32 $0x380, v5;
	(ifvalue) =	ssetifvalue $0x7FFFFFFF  }
.Ltmp4:
0x4c: {  	_ = 	snop;
	(pc) =	sbr.rel .LBB2_4-.Ltmp4, $1  }
0x4d: {  	_ =	sdelay $0x3  }
.LBB2_6:
0x4e: {  	_ =	sfence.sel $0x180000  }
0x4f: {  	s2 =	simm.s32 $0x2;
	[bflag:$0x0] =	sbarrier.arrive $0xFFFF  }
0x50: {  	s30 =	simm.s32 $0x3;
	[sflag:s2] =	ssyncpa.u1 $0x1  }
0x51: {  	s31 =	simm.s32 $0x1;
	[sflag:s30] =	ssyncpa.u1 $0x1  }
0x52: {  	[sflag:s31] =	ssyncpa.u1 $0x1  }
0x53: {  	p0 =	sne.s32 s0, $0x0;
	_ =	strace $0x90000056  }
0x54: {  	s0 =	sadd.s32 @!p0 $0x100000, s1;
	[bflag:$0x2] =	sbarrier.arrive $0xFFFF  }
0x55: {  	[sflag:s0] =	ssyncadd.tile.s32 @!p0 $0x1;
	_ =	shalt  }
.Lfunc_end2:
_tile_overlayer_lowered:
.L_overlay_start_2:
0x56: {  	(tag) =	ssettag $0x2  }
0x57: {  	s0 =	rddreg [dreg:$0x0];
	s2 =	stileid.u32  }
0x58: {  	s1 =	rddreg [dreg:$0x1];
	p0 =	sne.s32 s2, $0x0  }
0x59: {  	s3 =	rddreg [dreg:$0x2];
	[bflag:$0x3] =	sbarrier.arrive $0xFFFF;
	s2 =	simm.s32 @!p0 $0x1C01  }
0x5a: {  	[timem:s3], [sflag:s2] =	dma.local @!p0 [hbm:s0], s1  }
0x5b: {  	s0 =	simm.s32 @!p0 $0x1  }
0x5c: {  	_ =	swait.ge @!p0 [sflag:s0], s1  }
0x5d: {  	s1 =	ssub.s32 @!p0 $0x0, s1;
	[sflag:s0] =	ssyncset.done @!p0 $0x0  }
0x5e: {  	[sflag:s0] =	ssyncadd.s32 @!p0 s1  }
0x5f: {  	[bflag:$0x3] =	sbarrier.arrive $0xFFFF  }
0x60: {  	_ =	shalt  }

// kernel: gather_offload_async_start
scs
__scs_entry_jumppad:
0x0: {  	(pc) =	sbr.rel $0x88, $3  }
0x1: {  	(tag) =	ssettag $0x0;
	lr =	simm.s32 $0x1  }
0x2: {  	[smem:$0x3F9B] =	sst lr;
	_ =	strace $0xD0000000  }
0x3: {  	_ = 	snop  }
0x4: {  	_ = 	snop  }
0x5: {  	_ = 	snop  }
0x6: {  	_ = 	snop  }
0x7: {  	_ = 	snop  }
__scs_overlays_trampoline_lowered:
0x8: {  	[smem:$0x3FAA] =	sst s0  }
0x9: {  	[smem:$0x3FAB] =	sst s1  }
0xa: {  	[smem:$0x3FAC] =	sst s2  }
0xb: {  	[smem:$0x3FAD] =	sst s3  }
0xc: {  	[smem:$0x3FAE] =	sst s4  }
0xd: {  	[smem:$0x3FAF] =	sst s5  }
0xe: {  	[smem:$0x3FB0] =	sst s6  }
0xf: {  	[smem:$0x3FB1] =	sst s7  }
0x10: {  	[smem:$0x3FB2] =	sst s8  }
0x11: {  	[smem:$0x3FB3] =	sst s9;
	s0 =	simm.s32 @!p0 $0x0  }
0x12: {  	s1 =	sld [smem:$0x3F99];
	s0 =	simm.s32 @p0 $0x1  }
0x13: {  	[smem:$0x3FB4] =	sst s0;
	s0 =	simm.s32 @!p1 $0x0  }
0x14: {  	s2 =	sld [smem:$0x3F98];
	s0 =	simm.s32 @p1 $0x1  }
0x15: {  	[smem:$0x3FB5] =	sst s0;
	s0 =	simm.s32 @!p2 $0x0  }
0x16: {  	s3 =	sld [smem:$0x3FDB];
	s0 =	simm.s32 @p2 $0x1  }
0x17: {  	s4 =	simm.s32 $0x1BF5;
	[smem:$0x3FB7] =	sst s0  }
0x18: {  	s0 =	sld [smem:$0x3F9A];
	_ =	swait.ge [sflag:s4], $0x0  }
0x19: {  	s7 =	sld [smem:$0x3F9B]  }
0x1a: {  	s8 =	sadd.s32 $0xFFFFE003, lr  }
0x1b: {  	s9 =	sadd.s32 $0xFFFFFEF7, lr;
	s5 =	simm.s32 $0xFFFFFFFF;
	p2 =	slt.u32 s8, $0xFFFFF086  }
0x1c: {  	p1 =	slt.u32 s9, $0xF7A;
	s5 =	simm.s32 @!p2 $0x0  }
0x1d: {  	s5 =	simm.s32 @p1 $0x1;
	p0 =	seq.s32 s7, s2  }
0x1e: {  	s7 =	smul.u32 @!p0 $0xF7A, s2;
	p2 =	seq.s32 @!p0 s5, $0x0  }
0x1f: {  	s9 =	smul.u32 $0xF7A, s1;
	s8 =	simm.s32 @!p0 $0x1BF5;
	p2 =	por !p2, p0  }
0x20: {  	[sflag:s8] =	ssyncset.s32 @!p0 $0xFFFFF086;
	s6 =	sadd.s32 @!p0 s3, s7;
	s7 =	simm.s32 @!p0 $0x108  }
0x21: {  	s3 =	sadd.s32 s3, s9;
	s6 =	sadd.s32 @!p0 $0x88, s6;
	s7 =	simm.s32 @p2 $0x1082  }
0x22: {  	[simem:s7], [sflag:s8] =	dma.local @!p0 [hbm:s6], $0xF7A  }
0x23: {  	s9 =	sor.u32 $0xD0000000, s2;
	s6 =	simm.s32 $0x108;
	_ =	swait.ge @!p0 [sflag:s8], $0x0  }
0x24: {  	s3 =	sadd.s32 $0x88, s3;
	s6 =	simm.s32 @!p1 $0x1082;
	[sflag:s4] =	ssyncset.s32 $0xFFFFF086  }
0x25: {  	[simem:s6], [sflag:s4] =	dma.local [hbm:s3], $0xF7A  }
0x26: {  	[smem:$0x3F9B] =	sst s1;
	(tag) =	ssettag s2;
	_ =	strace s9  }
0x27: {  	s1 =	sld [smem:$0x3FAB]  }
0x28: {  	s2 =	sld [smem:$0x3FAC]  }
0x29: {  	s4 =	sld [smem:$0x3FAE]  }
0x2a: {  	p0 =	seq.s32 s5, $0x0;
	s5 =	sld [smem:$0x3FAF]  }
0x2b: {  	s6 =	sld [smem:$0x3FB0]  }
0x2c: {  	s7 =	sld [smem:$0x3FB1]  }
0x2d: {  	s3 =	simm.s32 $0x108;
	s8 =	sld [smem:$0x3FB2]  }
0x2e: {  	s3 =	simm.s32 @!p0 $0x1082;
	s9 =	sld [smem:$0x3FB3]  }
0x2f: {  	lr =	sadd.s32 s0, s3;
	s0 =	sld [smem:$0x3FAA]  }
0x30: {  	s3 =	sld [smem:$0x3FAD]  }
0x31: {  	[smem:$0x3FB6] =	sst s10  }
0x32: {  	s10 =	sld [smem:$0x3FB4];
	_ =	sdelay $0x3  }
0x33: {  	p0 =	seq.s32 s10, $0x1;
	s10 =	sld [smem:$0x3FB6];
	_ =	sdelay $0x3  }
0x34: {  	[smem:$0x3FB6] =	sst s10  }
0x35: {  	s10 =	sld [smem:$0x3FB5];
	_ =	sdelay $0x3  }
0x36: {  	p1 =	seq.s32 s10, $0x1;
	s10 =	sld [smem:$0x3FB6];
	_ =	sdelay $0x3  }
0x37: {  	[smem:$0x3FB6] =	sst s10  }
0x38: {  	s10 =	sld [smem:$0x3FB7]  }
0x39: {  	_ = 	snop;
	(pc) =	sbr.ind lr, $3  }
0x3a: {  	_ = 	snop  }
0x3b: {  	_ = 	snop  }
0x3c: {  	p2 =	seq.s32 s10, $0x1;
	s10 =	sld [smem:$0x3FB6]  }
0x3d: {  	_ =	shalt  }
0x3e: {  	_ =	shalt  }
0x3f: {  	_ =	shalt  }
0x40: {  	_ =	shalt  }
0x41: {  	_ =	shalt  }
0x42: {  	_ =	shalt  }
0x43: {  	_ =	shalt  }
0x44: {  	_ =	shalt  }
0x45: {  	_ =	shalt  }
0x46: {  	_ =	shalt  }
0x47: {  	_ =	shalt  }
0x48: {  	_ =	shalt  }
0x49: {  	_ =	shalt  }
0x4a: {  	_ =	shalt  }
0x4b: {  	_ =	shalt  }
0x4c: {  	_ =	shalt  }
0x4d: {  	_ =	shalt  }
0x4e: {  	_ =	shalt  }
0x4f: {  	_ =	shalt  }
0x50: {  	_ =	shalt  }
0x51: {  	_ =	shalt  }
0x52: {  	_ =	shalt  }
0x53: {  	_ =	shalt  }
0x54: {  	_ =	shalt  }
0x55: {  	_ =	shalt  }
0x56: {  	_ =	shalt  }
0x57: {  	_ =	shalt  }
0x58: {  	_ =	shalt  }
0x59: {  	_ =	shalt  }
0x5a: {  	_ =	shalt  }
0x5b: {  	_ =	shalt  }
0x5c: {  	_ =	shalt  }
0x5d: {  	_ =	shalt  }
0x5e: {  	_ =	shalt  }
0x5f: {  	_ =	shalt  }
0x60: {  	_ =	shalt  }
0x61: {  	_ =	shalt  }
0x62: {  	_ =	shalt  }
0x63: {  	_ =	shalt  }
0x64: {  	_ =	shalt  }
0x65: {  	_ =	shalt  }
0x66: {  	_ =	shalt  }
0x67: {  	_ =	shalt  }
0x68: {  	_ =	shalt  }
0x69: {  	_ =	shalt  }
0x6a: {  	_ =	shalt  }
0x6b: {  	_ =	shalt  }
0x6c: {  	_ =	shalt  }
0x6d: {  	_ =	shalt  }
0x6e: {  	_ =	shalt  }
0x6f: {  	_ =	shalt  }
0x70: {  	_ =	shalt  }
0x71: {  	_ =	shalt  }
0x72: {  	_ =	shalt  }
0x73: {  	_ =	shalt  }
0x74: {  	_ =	shalt  }
0x75: {  	_ =	shalt  }
0x76: {  	_ =	shalt  }
0x77: {  	_ =	shalt  }
0x78: {  	_ =	shalt  }
0x79: {  	_ =	shalt  }
0x7a: {  	_ =	shalt  }
0x7b: {  	_ =	shalt  }
0x7c: {  	_ =	shalt  }
0x7d: {  	_ =	shalt  }
0x7e: {  	_ =	shalt  }
0x7f: {  	_ =	shalt  }
0x80: {  	_ =	shalt  }
0x81: {  	_ =	shalt  }
0x82: {  	_ =	shalt  }
0x83: {  	_ =	shalt  }
0x84: {  	_ =	shalt  }
0x85: {  	_ =	shalt  }
0x86: {  	_ =	shalt  }
0x87: {  	_ =	shalt  }
.Lfunc_end0:
.L_simem_size_0:
called_computation_lowered:
.L_overlay_start_0:
0x88: {  	s2 =	sld [smem:$0x3FD9]  }
0x89: {  	s3 =	sld [smem:$0x3FFE];
	_ =	sdelay $0x1  }
0x8a: {  	s1 =	srdreg.scid  }
0x8b: {  	s0 =	sand.u32 $0x1, s1  }
0x8c: {  	s16 =	sshll.u32 s0, $0xA;
	s2 =	sadd.s32 s3, s2  }
0x8d: {  	s2 =	sadd.s32 s2, s16  }
0x8e: {  	[smem:$0x3FC2] =	sst s2  }
0x8f: {  	_ = 	snop  }
0x90: {  	(tm) =	ssettm $0x1  }
0x91: {  	s17 =	sld [smem:$0x3FFB];
	_ =	sdelay $0x3  }
0x92: {  	_ =	strace s17  }
0x93: {  	s2 =	sld [smem:$0x3FFC];
	_ =	sdelay $0x3  }
0x94: {  	_ =	strace s2  }
0x95: {  	s2 =	sld [smem:$0x3FFD];
	_ =	sdelay $0x3  }
0x96: {  	_ =	strace s2  }
0x97: {  	_ =	strace $0x8FFFFFFF  }
0x98: {  	s18 =	sld [smem:$0x3FDB];
	_ =	sdelay $0x1  }
0x99: {  	s19 =	simm.s32 $_scs_section_size  }
0x9a: {  	s4 =	simm.s32 $_size__tile_overlayer_lowered;
	s5 =	simm.s32 $_tile_overlayer_lowered  }
0x9b: {  	s22 =	simm.s32 $0x1BFF;
	s21 =	sshll.u32 s5, $0x1;
	s2 =	sadd.s32 s19, s18  }
0x9c: {  	s6 =	simm.s32 $0x0;
	s20 =	sshll.u32 s4, $0x1;
	s4 =	sadd.s32 s21, s2  }
0x9d: {  	[timem:s6], [sflag:s22] =	dma.local [hbm:s4], s20  }
0x9e: {  	_ =	swait.ge [sflag:s22], s20  }
0x9f: {  	s3 =	ssub.s32 $0x0, s20;
	[sflag:s22] =	ssyncset.done $0x0  }
0xa0: {  	[sflag:s22] =	ssyncadd.s32 s3;
	_ =	sdelay $0x1  }
0xa1: {  	s23 =	simm.s32 $0x1B8B  }
0xa2: {  	_ =	swait.ge [sflag:s23], $0x1  }
0xa3: {  	[sflag:s23] =	ssyncset.done $0x0  }
0xa4: {  	s25 =	simm.s32 $0x1B8E;
	s24 =	sld [smem:$0x3FFE];
	[sflag:s23] =	ssyncadd.s32 $0xFFFFFFFF  }
0xa5: {  	s26 =	simm.s32 $execute0_lowered;
	[smem:$0x3FD2] =	sst s25  }
0xa6: {  	s4 =	sshll.u32 s26, $0x1;
	_ =	strace $0x80000058;
	[dreg:$0x1] =	wrdreg $0xFFFFFFFF  }
0xa7: {  	s28 =	simm.s32 $_size_execute0_lowered;
	s2 =	sadd.s32 s2, s4;
	[dreg:$0x0] =	wrdreg $0x0  }
0xa8: {  	s4 =	sshll.u32 s28, $0x1;
	[dreg:$0x2] =	wrdreg s2  }
0xa9: {  	[dreg:$0x3] =	wrdreg s4  }
0xaa: {  	[dreg:$0x4] =	wrdreg $0xC0  }
0xab: {  	_ =	task [dreg:s6], $0x5FFFF  }
0xac: {  	[dreg:$0x1] =	wrdreg $0xFFFFFFFF  }
0xad: {  	[dreg:$0x0] =	wrdreg $0x60  }
0xae: {  	[dreg:$0x2] =	wrdreg s24  }
0xaf: {  	[dreg:$0x3] =	wrdreg $0x9  }
0xb0: {  	_ =	task.clear_ibuf [dreg:s6], $0x4FFFF;
	_ =	strace $0x90000058  }
0xb1: {  	s29 =	simm.s32 $0x9;
	_ =	strace $0x8000005A  }
0xb2: {  	_ =	swait.ge [sflag:s29], $0x1  }
0xb3: {  	[sflag:s29] =	ssyncadd.s32 $0xFFFFFFFF  }
0xb4: {  	_ =	strace $0x9000005A  }
0xb5: {  	_ =	sfence  }
0xb6: {  	s30 =	sld [smem:$0x0];
	_ =	sdelay $0x2  }
0xb7: {  	s31 =	sshll.u32 s1, $0xD;
	s1 =	sshrl.u32 s1, $0x2  }
0xb8: {  	s3 =	sand.u32 $0x4000, s31;
	s1 =	sadd.s32 s1, s30  }
0xb9: {  	s0 =	sor.u32 s3, s0;
	s1 =	sshll.u32 s1, $0x11  }
0xba: {  	s0 =	sor.u32 s1, s0  }
0xbb: {  	s0 =	sadd.s32 $0x8F2B, s0  }
0xbc: {  	[sflag:s0] =	ssyncadd.remote.s32 $0x1  }
0xbd: {  	_ =	sfence.sel $0xFFFF  }
0xbe: {  	[dreg:$0x0] =	wrdreg $0xFFFFFFFF;
	(pc) =	sbr.abs _section_cstart, $3  }
0xbf: {  	[dreg:$0x1] =	wrdreg $0xFFFFFFFF  }
0xc0: {  	_ =	task.clear_ibuf [dreg:s6], $0x2FFFF;
	_ =	strace $0x9FFFFFFF  }
0xc1: {  	(tm) =	ssettm $0x7FFFFFFF  }
tec
execute0_lowered:
.L_overlay_start_1:
0x0: {  	(tag) =	ssettag $0x1  }
0x1: {  	s0 =	srdreg.scid  }
0x2: {  	s1 =	sshll.u32 s0, $0x4  }
0x3: {  	s0 =	stileid.u32;
	s1 =	sand.u32 $0x10, s1  }
0x4: {  	s1 =	sor.u32 s0, s1  }
0x5: {  	s2 =	smin.u32 s1, $0x12  }
0x6: {  	s2 =	sadd.s32 s1, s2  }
0x7: {  	p0 =	slt.u32 s1, $0x12;
	s1 =	simm.s32 $0x140;
	s2 =	smul.u32 $0xA0, s2  }
0x8: {  	s1 =	simm.s32 @!p0 $0xA0  }
0x9: {  	s1 =	sadd.s32 s1, s2  }
0xa: {  	s3 =	smin.u32 s1, $0x1F40  }
0xb: {  	s7 =	ssub.s32 s3, s2  }
0xc: {  	p0 =	sgt.s32 s7, $0x0  }
0xd: {  	s7 =	simm.s32 @!p0 $0x0  }
0xe: {  	s31 =	smul.u32 $0xCCCD, s7  }
0xf: {  	s4 =	rddreg [dreg:$0x0];
	s6 =	simm.s32 $0x1  }
0x10: {  	s10 =	simm.s32 $0x3;
	s13 =	simm.s32 $0x0;
	s8 =	sshrl.u32 s31, $0x17  }
0x11: {  	s12 =	simm.s32 $0x0;
	s5 =	sadd.s32 $0x290C00, s4;
	s9 =	smul.u32 $0xA0, s8  }
.Ltmp0:
0x12: {  	s11 =	smov.u32 s2;
	s1 =	rddreg [dreg:$0x1];
	(pc) =	sbr.rel .LBB2_1-.Ltmp0, $4  }
0x13: {  	_ =	strace $0x80000059;
	p0 =	sne.s32 s7, s9;
	s9 =	simm.s32 $0x1  }
0x14: {  	[sflag:s6] =	ssyncpa.u1 $0x0;
	s7 =	simm.s32 $0x2;
	s9 =	simm.s32 @!p0 $0x0  }
0x15: {  	[sflag:s7] =	ssyncpa.u1 $0x0;
	p0 =	por $0x0, $0x0;
	s8 =	sadd.s32 s8, s9  }
0x16: {  	vm0 =	vmmov $0xff;
	vm1 =	vcmask $0x3F20;
	s9 =	sadd.s32 $0x400, s4;
	[sflag:s10] =	ssyncpa.u1 $0x0;
	s10 =	sadd.s32 $0x1, s8  }
.LBB2_6:
0x17: {  	[hbm:s17] =	stream.linear.scatter [tilespmem:s14], [sflag:$0x3], $0x400, $0x38;
	[tilespmem:$0xA140] =	vst v63  }
.LBB2_7:
0x18: {  	s13 =	sadd.s32 $0xA0, s11  }
0x19: {  	s15 =	smov.u32 s2;
	p2 =	slt.s32 s13, s3  }
0x1a: {  	s15 =	smov.u32 @p2 s13;
	p2 =	sne.s32 s12, s10  }
.Ltmp1:
0x1b: {  	p1 =	slt.u32 s12, $0x2;
	(pc) =	sbr.rel @!p2 .LBB2_8-.Ltmp1, $4  }
0x1c: {  	s14 =	simm.s32 @!p1 $0x3  }
0x1d: {  	s16 =	sadd.s32 $0x1, s12;
	_ =	swait.ge @!p1 [sflag:s14], $0x5000  }
0x1e: {  	p0 =	por !p0, !p0;
	s13 =	smov.u32 s11;
	[sflag:s14] =	ssyncset.done @!p1 $0x0  }
0x1f: {  	s12 =	smov.u32 s16;
	s11 =	smov.u32 s15;
	[sflag:s14] =	ssyncadd.s32 @!p1 $0xFFFFB000  }
.LBB2_1:
0x20: {  	p1 =	sge.u32 s12, s8  }
0x21: {  	s14 =	sxor.u32 @!p1 $0xFFFFFFFF, s12  }
0x22: {  	s14 =	sand.u32 @!p1 $0x1, s14  }
0x23: {  	s14 =	smul.u32 @!p1 $0x280, s14  }
0x24: {  	s31 =	sadd.s32 $0xFFFFFFFF, s12;
	s15 =	sshrl.u32 @!p1 s11, $0x3  }
0x25: {  	s16 =	sand.u32 @!p1 $0x7, s11;
	s15 =	sadd.s32 @!p1 s4, s15;
	s14 =	sshrl.u32 @!p1 s14, $0x2  }
0x26: {  	[tilespmem:s14], [sflag:$0x2] =	stream.linear.gather @!p1 [hbm4b:s15+s16], $0xA0, $0x38;
	[tilespmem:$0xA140] =	vst v63  }
0x27: {  	p1 =	sge.u32 s31, s8  }
.Ltmp2:
0x28: {  	_ = 	snop;
	(pc) =	sbr.rel @p1 .LBB2_7-.Ltmp2, $1  }
0x29: {  	_ =	sdelay $0x3  }
0x2a: {  	s14 =	simm.s32 $0x1  }
0x2b: {  	s14 =	simm.s32 @!p0 $0x0  }
0x2c: {  	s15 =	smul.u32 $0x280, s14  }
0x2d: {  	_ =	swait.ge [sflag:s7], $0xA0  }
0x2e: {  	[sflag:s7] =	ssyncset.done $0x0;
	s16 =	sshrl.u32 s15, $0x2  }
0x2f: {  	[sflag:s7] =	ssyncadd.s32 $0xFFFFFF60;
	s15 =	sadd.s32 $0x0, s16  }
0x30: {  	v0 =	vld.msk [tilespmem:s15+$0x0 ss:$0x1], $0xffff;
	_ =	sdelay $0x4  }
0x31: {  	vm2 =	vgt.s32 v0, $0x0  }
0x32: {  	v0 =	vnsel vm2, $0x0, v0  }
0x33: {  	v0 =	vmin.u32 v0, $0x4E1F  }
0x34: {  	v0 =	vshll.u32 v0, $0x4  }
0x35: {  	s14 =	smul.u32 $0x14000, s14;
	_ =	sdelay $0x1  }
0x36: {  	s14 =	sshrl.u32 s14, $0x2  }
0x37: {  	s14 =	sor.u32 $0x140, s14  }
0x38: {  	[tilespmem:s14], [sflag:$0x1] =	stream.indirect_vreg.gather [hbm:s5], $0x80, v0, vm0, $0x38;
	[tilespmem:$0xA140] =	vst v63  }
0x39: {  	s17 =	sadd.s32 $0x10, s16;
	s15 =	sadd.s32 $0x400, s14  }
0x3a: {  	[tilespmem:s15], [sflag:$0x1] =	stream.indirect_vreg.gather [hbm:s5], $0x80, v0, vm1, $0x38;
	[tilespmem:$0xA140] =	vst v63  }
0x3b: {  	s18 =	simm.s32 $0x80;
	v0 =	vld.msk [tilespmem:s17+$0x0 ss:$0x1], $0xffff;
	s17 =	smov.u32 s14  }
.LBB2_3:
0x3c: {  	p1 =	sne.s32 s18, $0x240;
	_ =	sdelay $0x4  }
0x3d: {  	vm2 =	vgt.s32 v0, $0x0  }
0x3e: {  	v0 =	vnsel vm2, $0x0, v0  }
0x3f: {  	v0 =	vmin.u32 v0, $0x4E1F  }
0x40: {  	v0 =	vshll.u32 v0, $0x4;
	_ =	sdelay $0x3  }
.Ltmp3:
0x41: {  	s19 =	sshra.s32 s18, $0x2;
	s17 =	sadd.s32 $0x800, s17;
	(pc) =	sbr.rel @p1 .LBB2_3-.Ltmp3, $4  }
0x42: {  	[tilespmem:s17], [sflag:$0x1] =	stream.indirect_vreg.gather [hbm:s5], $0x80, v0, vm0, $0x38;
	[tilespmem:$0xA140] =	vst v63  }
0x43: {  	s19 =	sadd.s32 s19, s16;
	s20 =	sadd.s32 $0x400, s17  }
0x44: {  	[tilespmem:s20], [sflag:$0x1] =	stream.indirect_vreg.gather [hbm:s5], $0x80, v0, vm1, $0x38;
	[tilespmem:$0xA140] =	vst v63  }
0x45: {  	s18 =	sadd.s32 $0x40, s18;
	v0 =	vld.msk [tilespmem:s19+$0x0 ss:$0x1], $0xffff  }
0x46: {  	_ =	sdelay $0x3  }
0x47: {  	vm2 =	vgt.s32 v0, $0x0  }
0x48: {  	v0 =	vnsel vm2, $0x0, v0  }
0x49: {  	v0 =	vmin.u32 v0, $0x4E1F  }
0x4a: {  	v0 =	vshll.u32 v0, $0x4;
	_ =	sdelay $0x3  }
0x4b: {  	s16 =	sadd.s32 $0x800, s17  }
0x4c: {  	[tilespmem:s16], [sflag:$0x1] =	stream.indirect_vreg.gather [hbm:s5], $0x80, v0, vm0, $0x38;
	[tilespmem:$0xA140] =	vst v63  }
0x4d: {  	s16 =	sadd.s32 $0x400, s16  }
0x4e: {  	[tilespmem:s16], [sflag:$0x1] =	stream.indirect_vreg.gather [hbm:s5], $0x80, v0, vm1, $0x38;
	[tilespmem:$0xA140] =	vst v63  }
0x4f: {  	s13 =	sshll.u32 s13, $0x4;
	_ =	swait.ge [sflag:s6], $0x5000  }
0x50: {  	s13 =	sadd.s32 s13, s9;
	[sflag:s6] =	ssyncset.done $0x0  }
0x51: {  	s17 =	sadd.s32 $0x0, s13;
	s16 =	simm.s32 $0x80;
	[sflag:s6] =	ssyncadd.s32 $0xFFFFB000  }
.LBB2_5:
0x52: {  	[hbm:s17] =	stream.linear.scatter [tilespmem:s14], [sflag:$0x3], $0x400, $0x38;
	[tilespmem:$0xA140] =	vst v63  }
0x53: {  	s17 =	smov.u32 s16;
	s14 =	smov.u32 s15;
	p1 =	sne.s32 s16, $0x980  }
.Ltmp4:
0x54: {  	s16 =	sadd.s32 $0x80, s16;
	(pc) =	sbr.rel @p1 .LBB2_5-.Ltmp4, $2  }
0x55: {  	_ =	sdelay $0x2  }
0x56: {  	s15 =	sadd.s32 $0x400, s15;
	s17 =	sadd.s32 s17, s13  }
.Ltmp5:
0x57: {  	_ = 	snop;
	(pc) =	sbr.rel .LBB2_6-.Ltmp5, $1  }
0x58: {  	_ =	sdelay $0x3  }
.LBB2_8:
0x59: {  	_ =	sfence.sel $0x180000  }
0x5a: {  	s2 =	simm.s32 $0x2;
	[bflag:$0x0] =	sbarrier.arrive $0xFFFF  }
0x5b: {  	s30 =	simm.s32 $0x3;
	[sflag:s2] =	ssyncpa.u1 $0x1  }
0x5c: {  	s31 =	simm.s32 $0x1;
	[sflag:s30] =	ssyncpa.u1 $0x1  }
0x5d: {  	[sflag:s31] =	ssyncpa.u1 $0x1  }
0x5e: {  	p0 =	sne.s32 s0, $0x0;
	_ =	strace $0x90000059  }
0x5f: {  	s0 =	sadd.s32 @!p0 $0x100000, s1;
	[bflag:$0x2] =	sbarrier.arrive $0xFFFF  }
0x60: {  	[sflag:s0] =	ssyncadd.tile.s32 @!p0 $0x1;
	_ =	shalt  }
.Lfunc_end2:
_tile_overlayer_lowered:
.L_overlay_start_2:
0x61: {  	(tag) =	ssettag $0x2  }
0x62: {  	s0 =	rddreg [dreg:$0x0];
	s2 =	stileid.u32  }
0x63: {  	s1 =	rddreg [dreg:$0x1];
	p0 =	sne.s32 s2, $0x0  }
0x64: {  	s3 =	rddreg [dreg:$0x2];
	[bflag:$0x3] =	sbarrier.arrive $0xFFFF;
	s2 =	simm.s32 @!p0 $0x1C01  }
0x65: {  	[timem:s3], [sflag:s2] =	dma.local @!p0 [hbm:s0], s1  }
0x66: {  	s0 =	simm.s32 @!p0 $0x1  }
0x67: {  	_ =	swait.ge @!p0 [sflag:s0], s1  }
0x68: {  	s1 =	ssub.s32 @!p0 $0x0, s1;
	[sflag:s0] =	ssyncset.done @!p0 $0x0  }
0x69: {  	[sflag:s0] =	ssyncadd.s32 @!p0 s1  }
0x6a: {  	[bflag:$0x3] =	sbarrier.arrive $0xFFFF  }
0x6b: {  	_ =	shalt  }

</sc_bundles>
